<compile_context>
chip_gen: v7x
topology: tpu7x:2x2x1
jax: 0.10.2.dev20260603
libtpu: 0.0.44.dev20260713+nightly
codegen_flags: <defaults>
</compile_context>

<pallas_src>
import functools

import jax
import jax.numpy as jnp
from jax import lax
from jax.experimental import pallas as pl
from jax.experimental.pallas import tpu as pltpu
from jax.experimental.pallas import tpu_sc as plsc

N_NODES = 10000
N_EDGES = 320000
HID = 128

NC = 2
NS = 16
NW = NC * NS
CHUNK = 128
K_CHUNKS = (N_EDGES + NW * CHUNK - 1) // (NW * CHUNK)
E_PAD = NW * K_CHUNKS * CHUNK
ROWS_PER_TILE = 640
N_PAD = NS * ROWS_PER_TILE

ROW_BLK = 400

@functools.cache
def _mesh():
  return plsc.VectorSubcoreMesh(core_axis_name="c", subcore_axis_name="s")


def _fill(ref, value):
  @pl.loop(0, CHUNK)
  def _(i):
    @pl.loop(0, HID // 16)
    def _(j):
      ref[i, pl.ds(j * 16, 16)] = jnp.full((16,), value, jnp.float32)



def _agg_body(h_hbm, src_hbm, dst_hbm, p_hbm, acc, src_v, dst_v, rows_v, sem):
  cid = lax.axis_index("c")
  sid = lax.axis_index("s")
  wid = cid * NS + sid
  row0 = sid * ROWS_PER_TILE

  _fill(rows_v, 0.0)

  @pl.loop(0, ROWS_PER_TILE // CHUNK)
  def _(i):
    pltpu.sync_copy(rows_v, acc.at[pl.ds(row0 + i * CHUNK, CHUNK)])

  pltpu.sync_copy(src_hbm.at[wid], src_v)
  pltpu.sync_copy(dst_hbm.at[wid], dst_v)

  plsc.subcore_barrier()

  @pl.loop(0, K_CHUNKS)
  def _(j):
    pltpu.async_copy(h_hbm.at[src_v.at[j]], rows_v, sem).wait()
    pltpu.sync_copy(rows_v, acc.at[dst_v.at[j]], add=True)

  plsc.subcore_barrier()

  @pl.loop(0, ROWS_PER_TILE // CHUNK)
  def _(i):
    r = row0 + i * CHUNK
    pltpu.sync_copy(acc.at[pl.ds(r, CHUNK)], rows_v)
    pltpu.sync_copy(rows_v, p_hbm.at[cid, pl.ds(r, CHUNK)])


@functools.cache
def _sc_agg():
  return pl.kernel(
      _agg_body,
      out_type=[jax.ShapeDtypeStruct((NC, N_PAD, HID), jnp.float32)],
      mesh=_mesh(),
      scratch_types=[
          pltpu.VMEM_SHARED((N_PAD, HID), jnp.float32),
          pltpu.VMEM((K_CHUNKS, CHUNK), jnp.int32),
          pltpu.VMEM((K_CHUNKS, CHUNK), jnp.int32),
          pltpu.VMEM((CHUNK, HID), jnp.float32),
          pltpu.SemaphoreType.DMA,
      ],
  )



def _cnt_body(dst_hbm, c_hbm, cacc, dst_v, const_v):
  cid = lax.axis_index("c")
  sid = lax.axis_index("s")
  wid = cid * NS + sid
  row0 = sid * ROWS_PER_TILE

  _fill(const_v, 0.0)

  @pl.loop(0, ROWS_PER_TILE // CHUNK)
  def _(i):
    pltpu.sync_copy(const_v, cacc.at[pl.ds(row0 + i * CHUNK, CHUNK)])

  pltpu.sync_copy(dst_hbm.at[wid], dst_v)

  _fill(const_v, 1.0)

  plsc.subcore_barrier()

  @pl.loop(0, K_CHUNKS)
  def _(j):
    pltpu.sync_copy(const_v, cacc.at[dst_v.at[j]], add=True)

  plsc.subcore_barrier()

  @pl.loop(0, ROWS_PER_TILE // CHUNK)
  def _(i):
    r = row0 + i * CHUNK
    pltpu.sync_copy(cacc.at[pl.ds(r, CHUNK)], const_v)
    pltpu.sync_copy(const_v, c_hbm.at[cid, pl.ds(r, CHUNK)])


@functools.cache
def _sc_counts():
  return pl.kernel(
      _cnt_body,
      out_type=[jax.ShapeDtypeStruct((NC, N_PAD, HID), jnp.float32)],
      mesh=_mesh(),
      scratch_types=[
          pltpu.VMEM_SHARED((N_PAD, HID), jnp.float32),
          pltpu.VMEM((K_CHUNKS, CHUNK), jnp.int32),
          pltpu.VMEM((CHUNK, HID), jnp.float32),
      ],
  )



def _enc_body(x_ref, w_ref, b_ref, o_ref):
  o_ref[...] = (
      lax.dot_general(x_ref[...], w_ref[...], (((1,), (1,)), ((), ())),
                      preferred_element_type=jnp.float32)
      + b_ref[...]
  )


def _encoder(x, w, b):
  return pl.pallas_call(
      _enc_body,
      grid=(N_NODES // ROW_BLK,),
      in_specs=[
          pl.BlockSpec((ROW_BLK, HID), lambda i: (i, 0)),
          pl.BlockSpec((HID, HID), lambda i: (0, 0)),
          pl.BlockSpec((1, HID), lambda i: (0, 0)),
      ],
      out_specs=pl.BlockSpec((ROW_BLK, HID), lambda i: (i, 0)),
      out_shape=jax.ShapeDtypeStruct((N_NODES, HID), jnp.float32),
  )(x, w, b.reshape(1, HID))


def _combine_body(p_ref, c_ref, h_ref, wl_ref, bl_ref, wr_ref, o_ref):
  cnt = c_ref[0, :, 0:1] + c_ref[1, :, 0:1]
  recip = 1.0 / jnp.maximum(cnt, 1.0)
  aggr = (p_ref[0] + p_ref[1]) * recip
  o_ref[...] = (
      lax.dot_general(aggr, wl_ref[...], (((1,), (1,)), ((), ())),
                      preferred_element_type=jnp.float32)
      + lax.dot_general(h_ref[...], wr_ref[...], (((1,), (1,)), ((), ())),
                        preferred_element_type=jnp.float32)
      + bl_ref[...]
  )


def _combine(p, c, h, wl, bl, wr):
  return pl.pallas_call(
      _combine_body,
      grid=(N_NODES // ROW_BLK,),
      in_specs=[
          pl.BlockSpec((NC, ROW_BLK, HID), lambda i: (0, i, 0)),
          pl.BlockSpec((NC, ROW_BLK, HID), lambda i: (0, i, 0)),
          pl.BlockSpec((ROW_BLK, HID), lambda i: (i, 0)),
          pl.BlockSpec((HID, HID), lambda i: (0, 0)),
          pl.BlockSpec((1, HID), lambda i: (0, 0)),
          pl.BlockSpec((HID, HID), lambda i: (0, 0)),
      ],
      out_specs=pl.BlockSpec((ROW_BLK, HID), lambda i: (i, 0)),
      out_shape=jax.ShapeDtypeStruct((N_NODES, HID), jnp.float32),
  )(p, c, h, wl, bl.reshape(1, HID), wr)



@jax.jit
def kernel(g, x, W_enc, b_enc, Wl0, bl0, Wr0, Wl1, bl1, Wr1):
  src = g[0].astype(jnp.int32)
  dst = g[1].astype(jnp.int32)
  pad = E_PAD - N_EDGES
  dummy_dst = N_NODES + jnp.arange(pad, dtype=jnp.int32) % (N_PAD - N_NODES)
  src_p = jnp.concatenate([src, jnp.zeros((pad,), jnp.int32)]) \
      .reshape(K_CHUNKS, NW, CHUNK).transpose(1, 0, 2)
  dst_p = jnp.concatenate([dst, dummy_dst]) \
      .reshape(K_CHUNKS, NW, CHUNK).transpose(1, 0, 2)

  h0 = _encoder(x, W_enc, b_enc)
  (c,) = _sc_counts()(dst_p)
  (p1,) = _sc_agg()(h0, src_p, dst_p)
  h1 = _combine(p1, c, h0, Wl0, bl0, Wr0)
  (p2,) = _sc_agg()(h1, src_p, dst_p)
  h2 = _combine(p2, c, h1, Wl1, bl1, Wr1)
  return h2

# --- scband reference (transcript-rebuilt; emitter-appended) ---
"""Pipeline reference for scband-hes-gnn-agg-28037546508938 (READ-ONLY COPY).

The authoritative reference and input builder live on the scoring server;
editing this copy changes nothing except your own understanding.
"""

import jax, jax.numpy as jnp
import numpy as np

N = 10000
E = 320000
IN_DIM = 128
HID = 128


def _sage_conv(x, src, dst, Wl, bl, Wr):
    # PyG-style SAGEConv with mean aggregation:
    # out = lin_l(mean_{j in N(i)} x_j) + lin_r(x_i)
    msg = x[src]                                   # gather source features [E, HID]
    s = jax.ops.segment_sum(msg, dst, num_segments=N)
    cnt = jax.ops.segment_sum(jnp.ones((msg.shape[0],), dtype=x.dtype), dst, num_segments=N)
    aggr = s / jnp.clip(cnt, 1.0)[:, None]
    return aggr @ Wl.T + bl + x @ Wr.T


def setup_inputs(seed: int = 0) -> dict:
    key = jax.random.key(seed)
    ks = jax.random.split(key, 12)
    x = jax.random.normal(ks[0], (N, IN_DIM), dtype=jnp.float32)
    g = jax.random.randint(ks[1], (2, E), 0, N)
    W_enc = jax.random.normal(ks[2], (HID, IN_DIM), dtype=jnp.float32) * 0.05
    b_enc = jnp.zeros((HID,), dtype=jnp.float32)
    Wl0 = jax.random.normal(ks[3], (HID, HID), dtype=jnp.float32) * 0.05
    bl0 = jnp.zeros((HID,), dtype=jnp.float32)
    Wr0 = jax.random.normal(ks[4], (HID, HID), dtype=jnp.float32) * 0.05
    Wl1 = jax.random.normal(ks[5], (HID, HID), dtype=jnp.float32) * 0.05
    bl1 = jnp.zeros((HID,), dtype=jnp.float32)
    Wr1 = jax.random.normal(ks[6], (HID, HID), dtype=jnp.float32) * 0.05
    return {"g": g, "x": x, "W_enc": W_enc, "b_enc": b_enc,
            "Wl0": Wl0, "bl0": bl0, "Wr0": Wr0,
            "Wl1": Wl1, "bl1": bl1, "Wr1": Wr1}


def reference(g, x, W_enc, b_enc, Wl0, bl0, Wr0, Wl1, bl1, Wr1):
    src = g[0]
    dst = g[1]
    # dropout is identity in eval mode
    h = x @ W_enc.T + b_enc
    h = _sage_conv(h, src, dst, Wl0, bl0, Wr0)
    h = _sage_conv(h, src, dst, Wl1, bl1, Wr1)
    return h

if __name__ == "__main__":
    import jax
    _d = setup_inputs()
    print(jax.jit(kernel)(*tuple(_d.values())))

</pallas_src>

<mosaic_0001>
#map = affine_map<(d0, d1) -> (0, 0, 0)>
module attributes {stable_mosaic.version = 14 : i64} {
  func.func @_cnt_body(%arg0: i32, %arg1: i32, %arg2: memref<32x79x128xi32, #tpu.memory_space<hbm>>, %arg3: memref<2x10240x128xf32, #tpu.memory_space<hbm>>, %arg4: memref<10240x128xf32, #tpu.memory_space<vmem_shared>>, %arg5: memref<79x128xi32, #tpu.memory_space<vmem>>, %arg6: memref<128x128xf32, #tpu.memory_space<vmem>>) attributes {dimension_semantics = [#tpu.dimension_semantics<core_parallel>, #tpu.dimension_semantics<subcore_parallel>], iteration_bounds = array<i64: 2, 16>, scalar_prefetch = 0 : i64, scratch_operands = 3 : i64, tpu.core_type = #tpu.core_type<sc_vector_subcore>, window_params = [{transform_indices = #map}, {transform_indices = #map}]} {
    %mul3A = arith.constant 16 : i32
    %mul3A_0 = arith.muli %arg0, %mul3A : i32
    %add3A = arith.addi %mul3A_0, %arg1 : i32
    %mul3A_1 = arith.constant 640 : i32
    %mul3A_2 = arith.muli %arg1, %mul3A_1 : i32
    %scan3A = arith.constant 0 : i32
    %scan3A_3 = arith.constant 128 : i32
    %scan3A_4 = arith.addi %scan3A, %scan3A_3 : i32
    %scan3A_5 = arith.constant 1 : i32
    scf.for %scan3A_28 = %scan3A to %scan3A_4 step %scan3A_5  : i32 {
      %mul3A_29 = arith.constant 1 : i32
      %mul3A_30 = arith.muli %scan3A_28, %mul3A_29 : i32
      %add3A_31 = arith.constant 0 : i32
      %add3A_32 = arith.addi %add3A_31, %mul3A_30 : i32
      %scan3A_33 = arith.constant 0 : i32
      %scan3A_34 = arith.constant 8 : i32
      %scan3A_35 = arith.addi %scan3A_33, %scan3A_34 : i32
      %scan3A_36 = arith.constant 1 : i32
      scf.for %scan3A_38 = %scan3A_33 to %scan3A_35 step %scan3A_36  : i32 {
        %mul3A_39 = arith.constant 1 : i32
        %mul3A_40 = arith.muli %scan3A_38, %mul3A_39 : i32
        %add3A_41 = arith.constant 0 : i32
        %add3A_42 = arith.addi %add3A_41, %mul3A_40 : i32
        %broadcast_in_dim3A = arith.constant 0.000000e+00 : f32
        %broadcast_in_dim3A_43 = vector.broadcast %broadcast_in_dim3A : f32 to vector<16xf32>
        %mul3A_44 = arith.constant 16 : i32
        %mul3A_45 = arith.muli %add3A_42, %mul3A_44 : i32
        %swap3A = arith.index_cast %add3A_32 : i32 to index
        %swap3A_46 = arith.index_cast %mul3A_45 : i32 to index
        %swap3A_47 = tpu.vector_load %arg6[%swap3A, %swap3A_46] {strides = array<i32>} : memref<128x128xf32, #tpu.memory_space<vmem>>, vector<1x16xf32>,
        %swap3A_48 = vector.shape_cast %swap3A_47 : vector<1x16xf32> to vector<16xf32>
        %swap3A_49 = vector.shape_cast %broadcast_in_dim3A_43 : vector<16xf32> to vector<1x16xf32>
        tpu.vector_store %arg6[%swap3A, %swap3A_46], %swap3A_49 {strides = array<i32>} : memref<128x128xf32, #tpu.memory_space<vmem>>, vector<1x16xf32>,
      }
      %scan3A_37 = arith.constant 8 : i32
    }
    %scan3A_6 = arith.constant 128 : i32
    %scan3A_7 = arith.constant 0 : i32
    %scan3A_8 = arith.constant 5 : i32
    %scan3A_9 = arith.addi %scan3A_7, %scan3A_8 : i32
    %scan3A_10 = arith.constant 1 : i32
    scf.for %scan3A_28 = %scan3A_7 to %scan3A_9 step %scan3A_10  : i32 {
      %mul3A_29 = arith.constant 1 : i32
      %mul3A_30 = arith.muli %scan3A_28, %mul3A_29 : i32
      %add3A_31 = arith.constant 0 : i32
      %add3A_32 = arith.addi %add3A_31, %mul3A_30 : i32
      %mul3A_33 = arith.constant 128 : i32
      %mul3A_34 = arith.muli %add3A_32, %mul3A_33 : i32
      %add3A_35 = arith.addi %mul3A_2, %mul3A_34 : i32
      "tpu.region"() ({
        %run_scoped3A = tpu.sem_alloc : memref<!tpu.dma_semaphore, #tpu.memory_space<semaphore_mem>>
        %dma_start3A = arith.constant 0 : i32
        %dma_start3A_36 = tpu.memref_slice %arg4[%add3A_35, %dma_start3A] : memref<10240x128xf32, #tpu.memory_space<vmem_shared>> -> memref<128x128xf32, #tpu.memory_space<vmem_shared>>
        %dma_start3A_37 = arith.constant 0 : i32
        %dma_start3A_38 = tpu.memref_slice %arg4[%add3A_35, %dma_start3A_37] : memref<10240x128xf32, #tpu.memory_space<vmem_shared>> -> memref<128x128xf32, #tpu.memory_space<vmem_shared>>
        tpu.enqueue_dma source(%arg6 : memref<128x128xf32, #tpu.memory_space<vmem>>) target(%dma_start3A_38 : memref<128x128xf32, #tpu.memory_space<vmem_shared>>) target_semaphore(%run_scoped3A : memref<!tpu.dma_semaphore, #tpu.memory_space<semaphore_mem>>)
        %dma_wait3A = arith.constant 0 : i32
        %dma_wait3A_39 = tpu.memref_slice %arg4[%add3A_35, %dma_wait3A] : memref<10240x128xf32, #tpu.memory_space<vmem_shared>> -> memref<128x128xf32, #tpu.memory_space<vmem_shared>>
        %dma_wait3A_40 = arith.constant 0 : i32
        %dma_wait3A_41 = tpu.memref_slice %arg4[%add3A_35, %dma_wait3A_40] : memref<10240x128xf32, #tpu.memory_space<vmem_shared>> -> memref<128x128xf32, #tpu.memory_space<vmem_shared>>
        tpu.wait_dma2 semaphore(%run_scoped3A : memref<!tpu.dma_semaphore, #tpu.memory_space<semaphore_mem>>) src(%arg6 : memref<128x128xf32, #tpu.memory_space<vmem>>) dst(%dma_wait3A_41 : memref<128x128xf32, #tpu.memory_space<vmem_shared>>)
        tpu.yield
      }) : () -> ()
    }
    %scan3A_11 = arith.constant 5 : i32
    "tpu.region"() ({
      %run_scoped3A = tpu.sem_alloc : memref<!tpu.dma_semaphore, #tpu.memory_space<semaphore_mem>>
      %dma_start3A = arith.constant 0 : i32
      %dma_start3A_28 = arith.constant 0 : i32
      %dma_start3A_29 = tpu.memref_slice %arg2[%add3A, %dma_start3A, %dma_start3A_28] : memref<32x79x128xi32, #tpu.memory_space<hbm>> -> memref<1x79x128xi32, #tpu.memory_space<hbm>>
      %dma_start3A_30 = tpu.memref_squeeze %dma_start3A_29 : memref<1x79x128xi32, #tpu.memory_space<hbm>> -> memref<79x128xi32, #tpu.memory_space<hbm>>
      %dma_start3A_31 = arith.constant 0 : i32
      %dma_start3A_32 = arith.constant 0 : i32
      %dma_start3A_33 = tpu.memref_slice %arg2[%add3A, %dma_start3A_31, %dma_start3A_32] : memref<32x79x128xi32, #tpu.memory_space<hbm>> -> memref<1x79x128xi32, #tpu.memory_space<hbm>>
      %dma_start3A_34 = tpu.memref_squeeze %dma_start3A_33 : memref<1x79x128xi32, #tpu.memory_space<hbm>> -> memref<79x128xi32, #tpu.memory_space<hbm>>
      tpu.enqueue_dma source(%dma_start3A_34 : memref<79x128xi32, #tpu.memory_space<hbm>>) target(%arg5 : memref<79x128xi32, #tpu.memory_space<vmem>>) target_semaphore(%run_scoped3A : memref<!tpu.dma_semaphore, #tpu.memory_space<semaphore_mem>>)
      %dma_wait3A = arith.constant 0 : i32
      %dma_wait3A_35 = arith.constant 0 : i32
      %dma_wait3A_36 = tpu.memref_slice %arg2[%add3A, %dma_wait3A, %dma_wait3A_35] : memref<32x79x128xi32, #tpu.memory_space<hbm>> -> memref<1x79x128xi32, #tpu.memory_space<hbm>>
      %dma_wait3A_37 = tpu.memref_squeeze %dma_wait3A_36 : memref<1x79x128xi32, #tpu.memory_space<hbm>> -> memref<79x128xi32, #tpu.memory_space<hbm>>
      %dma_wait3A_38 = arith.constant 0 : i32
      %dma_wait3A_39 = arith.constant 0 : i32
      %dma_wait3A_40 = tpu.memref_slice %arg2[%add3A, %dma_wait3A_38, %dma_wait3A_39] : memref<32x79x128xi32, #tpu.memory_space<hbm>> -> memref<1x79x128xi32, #tpu.memory_space<hbm>>
      %dma_wait3A_41 = tpu.memref_squeeze %dma_wait3A_40 : memref<1x79x128xi32, #tpu.memory_space<hbm>> -> memref<79x128xi32, #tpu.memory_space<hbm>>
      tpu.wait_dma2 semaphore(%run_scoped3A : memref<!tpu.dma_semaphore, #tpu.memory_space<semaphore_mem>>) src(%dma_wait3A_41 : memref<79x128xi32, #tpu.memory_space<hbm>>) dst(%arg5 : memref<79x128xi32, #tpu.memory_space<vmem>>)
      tpu.yield
    }) : () -> ()
    %scan3A_12 = arith.constant 0 : i32
    %scan3A_13 = arith.constant 128 : i32
    %scan3A_14 = arith.addi %scan3A_12, %scan3A_13 : i32
    %scan3A_15 = arith.constant 1 : i32
    scf.for %scan3A_28 = %scan3A_12 to %scan3A_14 step %scan3A_15  : i32 {
      %mul3A_29 = arith.constant 1 : i32
      %mul3A_30 = arith.muli %scan3A_28, %mul3A_29 : i32
      %add3A_31 = arith.constant 0 : i32
      %add3A_32 = arith.addi %add3A_31, %mul3A_30 : i32
      %scan3A_33 = arith.constant 0 : i32
      %scan3A_34 = arith.constant 8 : i32
      %scan3A_35 = arith.addi %scan3A_33, %scan3A_34 : i32
      %scan3A_36 = arith.constant 1 : i32
      scf.for %scan3A_38 = %scan3A_33 to %scan3A_35 step %scan3A_36  : i32 {
        %mul3A_39 = arith.constant 1 : i32
        %mul3A_40 = arith.muli %scan3A_38, %mul3A_39 : i32
        %add3A_41 = arith.constant 0 : i32
        %add3A_42 = arith.addi %add3A_41, %mul3A_40 : i32
        %broadcast_in_dim3A = arith.constant 1.000000e+00 : f32
        %broadcast_in_dim3A_43 = vector.broadcast %broadcast_in_dim3A : f32 to vector<16xf32>
        %mul3A_44 = arith.constant 16 : i32
        %mul3A_45 = arith.muli %add3A_42, %mul3A_44 : i32
        %swap3A = arith.index_cast %add3A_32 : i32 to index
        %swap3A_46 = arith.index_cast %mul3A_45 : i32 to index
        %swap3A_47 = tpu.vector_load %arg6[%swap3A, %swap3A_46] {strides = array<i32>} : memref<128x128xf32, #tpu.memory_space<vmem>>, vector<1x16xf32>,
        %swap3A_48 = vector.shape_cast %swap3A_47 : vector<1x16xf32> to vector<16xf32>
        %swap3A_49 = vector.shape_cast %broadcast_in_dim3A_43 : vector<16xf32> to vector<1x16xf32>
        tpu.vector_store %arg6[%swap3A, %swap3A_46], %swap3A_49 {strides = array<i32>} : memref<128x128xf32, #tpu.memory_space<vmem>>, vector<1x16xf32>,
      }
      %scan3A_37 = arith.constant 8 : i32
    }
    %scan3A_16 = arith.constant 128 : i32
    %barrier3A = arith.constant 0 : index
    tpu.barrier barrier_id(%barrier3A)
    %scan3A_17 = arith.constant 0 : i32
    %scan3A_18 = arith.constant 79 : i32
    %scan3A_19 = arith.addi %scan3A_17, %scan3A_18 : i32
    %scan3A_20 = arith.constant 1 : i32
    scf.for %scan3A_28 = %scan3A_17 to %scan3A_19 step %scan3A_20  : i32 {
      %mul3A_29 = arith.constant 1 : i32
      %mul3A_30 = arith.muli %scan3A_28, %mul3A_29 : i32
      %add3A_31 = arith.constant 0 : i32
      %add3A_32 = arith.addi %add3A_31, %mul3A_30 : i32
      "tpu.region"() ({
        %run_scoped3A = tpu.sem_alloc : memref<!tpu.dma_semaphore, #tpu.memory_space<semaphore_mem>>
        %dma_start3A = arith.constant 0 : i32
        %dma_start3A_33 = tpu.memref_slice %arg5[%add3A_32, %dma_start3A] : memref<79x128xi32, #tpu.memory_space<vmem>> -> memref<1x128xi32, #tpu.memory_space<vmem>>
        %dma_start3A_34 = tpu.memref_squeeze %dma_start3A_33 : memref<1x128xi32, #tpu.memory_space<vmem>> -> memref<128xi32, #tpu.memory_space<vmem>>
        %dma_start3A_35 = arith.constant 0 : i32
        %dma_start3A_36 = arith.constant 0 : i32
        %dma_start3A_37 = tpu.memref_slice %arg4[%dma_start3A_35, %dma_start3A_36] : memref<10240x128xf32, #tpu.memory_space<vmem_shared>> -> memref<10240x128xf32, #tpu.memory_space<vmem_shared>>
        tpu.enqueue_indirect_dma source(%arg6 : memref<128x128xf32, #tpu.memory_space<vmem>>) target(%dma_start3A_37 : memref<10240x128xf32, #tpu.memory_space<vmem_shared>>) offsets(%dma_start3A_34 : memref<128xi32, #tpu.memory_space<vmem>>) semaphore(%run_scoped3A : memref<!tpu.dma_semaphore, #tpu.memory_space<semaphore_mem>>) {add = true}
        %dma_wait3A = arith.constant 0 : i32
        %dma_wait3A_38 = tpu.memref_slice %arg5[%add3A_32, %dma_wait3A] : memref<79x128xi32, #tpu.memory_space<vmem>> -> memref<1x128xi32, #tpu.memory_space<vmem>>
        %dma_wait3A_39 = tpu.memref_squeeze %dma_wait3A_38 : memref<1x128xi32, #tpu.memory_space<vmem>> -> memref<128xi32, #tpu.memory_space<vmem>>
        %dma_wait3A_40 = arith.constant 0 : i32
        %dma_wait3A_41 = arith.constant 0 : i32
        %dma_wait3A_42 = tpu.memref_slice %arg4[%dma_wait3A_40, %dma_wait3A_41] : memref<10240x128xf32, #tpu.memory_space<vmem_shared>> -> memref<10240x128xf32, #tpu.memory_space<vmem_shared>>
        tpu.wait_indirect_dma semaphore(%run_scoped3A : memref<!tpu.dma_semaphore, #tpu.memory_space<semaphore_mem>>) src(%arg6 : memref<128x128xf32, #tpu.memory_space<vmem>>) dst(%dma_wait3A_42 : memref<10240x128xf32, #tpu.memory_space<vmem_shared>>)
        tpu.yield
      }) : () -> ()
    }
    %scan3A_21 = arith.constant 79 : i32
    %barrier3A_22 = arith.constant 0 : index
    tpu.barrier barrier_id(%barrier3A_22)
    %scan3A_23 = arith.constant 0 : i32
    %scan3A_24 = arith.constant 5 : i32
    %scan3A_25 = arith.addi %scan3A_23, %scan3A_24 : i32
    %scan3A_26 = arith.constant 1 : i32
    scf.for %scan3A_28 = %scan3A_23 to %scan3A_25 step %scan3A_26  : i32 {
      %mul3A_29 = arith.constant 1 : i32
      %mul3A_30 = arith.muli %scan3A_28, %mul3A_29 : i32
      %add3A_31 = arith.constant 0 : i32
      %add3A_32 = arith.addi %add3A_31, %mul3A_30 : i32
      %mul3A_33 = arith.constant 128 : i32
      %mul3A_34 = arith.muli %add3A_32, %mul3A_33 : i32
      %add3A_35 = arith.addi %mul3A_2, %mul3A_34 : i32
      "tpu.region"() ({
        %run_scoped3A = tpu.sem_alloc : memref<!tpu.dma_semaphore, #tpu.memory_space<semaphore_mem>>
        %dma_start3A = arith.constant 0 : i32
        %dma_start3A_36 = tpu.memref_slice %arg4[%add3A_35, %dma_start3A] : memref<10240x128xf32, #tpu.memory_space<vmem_shared>> -> memref<128x128xf32, #tpu.memory_space<vmem_shared>>
        %dma_start3A_37 = arith.constant 0 : i32
        %dma_start3A_38 = tpu.memref_slice %arg4[%add3A_35, %dma_start3A_37] : memref<10240x128xf32, #tpu.memory_space<vmem_shared>> -> memref<128x128xf32, #tpu.memory_space<vmem_shared>>
        tpu.enqueue_dma source(%dma_start3A_38 : memref<128x128xf32, #tpu.memory_space<vmem_shared>>) target(%arg6 : memref<128x128xf32, #tpu.memory_space<vmem>>) target_semaphore(%run_scoped3A : memref<!tpu.dma_semaphore, #tpu.memory_space<semaphore_mem>>)
        %dma_wait3A = arith.constant 0 : i32
        %dma_wait3A_39 = tpu.memref_slice %arg4[%add3A_35, %dma_wait3A] : memref<10240x128xf32, #tpu.memory_space<vmem_shared>> -> memref<128x128xf32, #tpu.memory_space<vmem_shared>>
        %dma_wait3A_40 = arith.constant 0 : i32
        %dma_wait3A_41 = tpu.memref_slice %arg4[%add3A_35, %dma_wait3A_40] : memref<10240x128xf32, #tpu.memory_space<vmem_shared>> -> memref<128x128xf32, #tpu.memory_space<vmem_shared>>
        tpu.wait_dma2 semaphore(%run_scoped3A : memref<!tpu.dma_semaphore, #tpu.memory_space<semaphore_mem>>) src(%dma_wait3A_41 : memref<128x128xf32, #tpu.memory_space<vmem_shared>>) dst(%arg6 : memref<128x128xf32, #tpu.memory_space<vmem>>)
        tpu.yield
      }) : () -> ()
      "tpu.region"() ({
        %run_scoped3A = tpu.sem_alloc : memref<!tpu.dma_semaphore, #tpu.memory_space<semaphore_mem>>
        %dma_start3A = arith.constant 0 : i32
        %dma_start3A_36 = tpu.memref_slice %arg3[%arg0, %add3A_35, %dma_start3A] : memref<2x10240x128xf32, #tpu.memory_space<hbm>> -> memref<1x128x128xf32, #tpu.memory_space<hbm>>
        %dma_start3A_37 = tpu.memref_squeeze %dma_start3A_36 : memref<1x128x128xf32, #tpu.memory_space<hbm>> -> memref<128x128xf32, #tpu.memory_space<hbm>>
        %dma_start3A_38 = arith.constant 0 : i32
        %dma_start3A_39 = tpu.memref_slice %arg3[%arg0, %add3A_35, %dma_start3A_38] : memref<2x10240x128xf32, #tpu.memory_space<hbm>> -> memref<1x128x128xf32, #tpu.memory_space<hbm>>
        %dma_start3A_40 = tpu.memref_squeeze %dma_start3A_39 : memref<1x128x128xf32, #tpu.memory_space<hbm>> -> memref<128x128xf32, #tpu.memory_space<hbm>>
        tpu.enqueue_dma source(%arg6 : memref<128x128xf32, #tpu.memory_space<vmem>>) target(%dma_start3A_40 : memref<128x128xf32, #tpu.memory_space<hbm>>) target_semaphore(%run_scoped3A : memref<!tpu.dma_semaphore, #tpu.memory_space<semaphore_mem>>)
        %dma_wait3A = arith.constant 0 : i32
        %dma_wait3A_41 = tpu.memref_slice %arg3[%arg0, %add3A_35, %dma_wait3A] : memref<2x10240x128xf32, #tpu.memory_space<hbm>> -> memref<1x128x128xf32, #tpu.memory_space<hbm>>
        %dma_wait3A_42 = tpu.memref_squeeze %dma_wait3A_41 : memref<1x128x128xf32, #tpu.memory_space<hbm>> -> memref<128x128xf32, #tpu.memory_space<hbm>>
        %dma_wait3A_43 = arith.constant 0 : i32
        %dma_wait3A_44 = tpu.memref_slice %arg3[%arg0, %add3A_35, %dma_wait3A_43] : memref<2x10240x128xf32, #tpu.memory_space<hbm>> -> memref<1x128x128xf32, #tpu.memory_space<hbm>>
        %dma_wait3A_45 = tpu.memref_squeeze %dma_wait3A_44 : memref<1x128x128xf32, #tpu.memory_space<hbm>> -> memref<128x128xf32, #tpu.memory_space<hbm>>
        tpu.wait_dma2 semaphore(%run_scoped3A : memref<!tpu.dma_semaphore, #tpu.memory_space<semaphore_mem>>) src(%arg6 : memref<128x128xf32, #tpu.memory_space<vmem>>) dst(%dma_wait3A_45 : memref<128x128xf32, #tpu.memory_space<hbm>>)
        tpu.yield
      }) : () -> ()
    }
    %scan3A_27 = arith.constant 5 : i32
    return
  }
}

#map = affine_map<(d0, d1) -> (0, 0)>
#map1 = affine_map<(d0, d1) -> (0, 0, 0)>
module attributes {stable_mosaic.version = 14 : i64} {
  func.func @_agg_body(%arg0: i32, %arg1: i32, %arg2: memref<10000x128xf32, #tpu.memory_space<hbm>>, %arg3: memref<32x79x128xi32, #tpu.memory_space<hbm>>, %arg4: memref<32x79x128xi32, #tpu.memory_space<hbm>>, %arg5: memref<2x10240x128xf32, #tpu.memory_space<hbm>>, %arg6: memref<10240x128xf32, #tpu.memory_space<vmem_shared>>, %arg7: memref<79x128xi32, #tpu.memory_space<vmem>>, %arg8: memref<79x128xi32, #tpu.memory_space<vmem>>, %arg9: memref<128x128xf32, #tpu.memory_space<vmem>>, %arg10: memref<!tpu.dma_semaphore, #tpu.memory_space<semaphore_mem>>) attributes {dimension_semantics = [#tpu.dimension_semantics<core_parallel>, #tpu.dimension_semantics<subcore_parallel>], iteration_bounds = array<i64: 2, 16>, scalar_prefetch = 0 : i64, scratch_operands = 5 : i64, tpu.core_type = #tpu.core_type<sc_vector_subcore>, window_params = [{transform_indices = #map}, {transform_indices = #map1}, {transform_indices = #map1}, {transform_indices = #map1}]} {
    %mul3A = arith.constant 16 : i32
    %mul3A_0 = arith.muli %arg0, %mul3A : i32
    %add3A = arith.addi %mul3A_0, %arg1 : i32
    %mul3A_1 = arith.constant 640 : i32
    %mul3A_2 = arith.muli %arg1, %mul3A_1 : i32
    %scan3A = arith.constant 0 : i32
    %scan3A_3 = arith.constant 128 : i32
    %scan3A_4 = arith.addi %scan3A, %scan3A_3 : i32
    %scan3A_5 = arith.constant 1 : i32
    scf.for %scan3A_23 = %scan3A to %scan3A_4 step %scan3A_5  : i32 {
      %mul3A_24 = arith.constant 1 : i32
      %mul3A_25 = arith.muli %scan3A_23, %mul3A_24 : i32
      %add3A_26 = arith.constant 0 : i32
      %add3A_27 = arith.addi %add3A_26, %mul3A_25 : i32
      %scan3A_28 = arith.constant 0 : i32
      %scan3A_29 = arith.constant 8 : i32
      %scan3A_30 = arith.addi %scan3A_28, %scan3A_29 : i32
      %scan3A_31 = arith.constant 1 : i32
      scf.for %scan3A_33 = %scan3A_28 to %scan3A_30 step %scan3A_31  : i32 {
        %mul3A_34 = arith.constant 1 : i32
        %mul3A_35 = arith.muli %scan3A_33, %mul3A_34 : i32
        %add3A_36 = arith.constant 0 : i32
        %add3A_37 = arith.addi %add3A_36, %mul3A_35 : i32
        %broadcast_in_dim3A = arith.constant 0.000000e+00 : f32
        %broadcast_in_dim3A_38 = vector.broadcast %broadcast_in_dim3A : f32 to vector<16xf32>
        %mul3A_39 = arith.constant 16 : i32
        %mul3A_40 = arith.muli %add3A_37, %mul3A_39 : i32
        %swap3A = arith.index_cast %add3A_27 : i32 to index
        %swap3A_41 = arith.index_cast %mul3A_40 : i32 to index
        %swap3A_42 = tpu.vector_load %arg9[%swap3A, %swap3A_41] {strides = array<i32>} : memref<128x128xf32, #tpu.memory_space<vmem>>, vector<1x16xf32>,
        %swap3A_43 = vector.shape_cast %swap3A_42 : vector<1x16xf32> to vector<16xf32>
        %swap3A_44 = vector.shape_cast %broadcast_in_dim3A_38 : vector<16xf32> to vector<1x16xf32>
        tpu.vector_store %arg9[%swap3A, %swap3A_41], %swap3A_44 {strides = array<i32>} : memref<128x128xf32, #tpu.memory_space<vmem>>, vector<1x16xf32>,
      }
      %scan3A_32 = arith.constant 8 : i32
    }
    %scan3A_6 = arith.constant 128 : i32
    %scan3A_7 = arith.constant 0 : i32
    %scan3A_8 = arith.constant 5 : i32
    %scan3A_9 = arith.addi %scan3A_7, %scan3A_8 : i32
    %scan3A_10 = arith.constant 1 : i32
    scf.for %scan3A_23 = %scan3A_7 to %scan3A_9 step %scan3A_10  : i32 {
      %mul3A_24 = arith.constant 1 : i32
      %mul3A_25 = arith.muli %scan3A_23, %mul3A_24 : i32
      %add3A_26 = arith.constant 0 : i32
      %add3A_27 = arith.addi %add3A_26, %mul3A_25 : i32
      %mul3A_28 = arith.constant 128 : i32
      %mul3A_29 = arith.muli %add3A_27, %mul3A_28 : i32
      %add3A_30 = arith.addi %mul3A_2, %mul3A_29 : i32
      "tpu.region"() ({
        %run_scoped3A = tpu.sem_alloc : memref<!tpu.dma_semaphore, #tpu.memory_space<semaphore_mem>>
        %dma_start3A = arith.constant 0 : i32
        %dma_start3A_31 = tpu.memref_slice %arg6[%add3A_30, %dma_start3A] : memref<10240x128xf32, #tpu.memory_space<vmem_shared>> -> memref<128x128xf32, #tpu.memory_space<vmem_shared>>
        %dma_start3A_32 = arith.constant 0 : i32
        %dma_start3A_33 = tpu.memref_slice %arg6[%add3A_30, %dma_start3A_32] : memref<10240x128xf32, #tpu.memory_space<vmem_shared>> -> memref<128x128xf32, #tpu.memory_space<vmem_shared>>
        tpu.enqueue_dma source(%arg9 : memref<128x128xf32, #tpu.memory_space<vmem>>) target(%dma_start3A_33 : memref<128x128xf32, #tpu.memory_space<vmem_shared>>) target_semaphore(%run_scoped3A : memref<!tpu.dma_semaphore, #tpu.memory_space<semaphore_mem>>)
        %dma_wait3A = arith.constant 0 : i32
        %dma_wait3A_34 = tpu.memref_slice %arg6[%add3A_30, %dma_wait3A] : memref<10240x128xf32, #tpu.memory_space<vmem_shared>> -> memref<128x128xf32, #tpu.memory_space<vmem_shared>>
        %dma_wait3A_35 = arith.constant 0 : i32
        %dma_wait3A_36 = tpu.memref_slice %arg6[%add3A_30, %dma_wait3A_35] : memref<10240x128xf32, #tpu.memory_space<vmem_shared>> -> memref<128x128xf32, #tpu.memory_space<vmem_shared>>
        tpu.wait_dma2 semaphore(%run_scoped3A : memref<!tpu.dma_semaphore, #tpu.memory_space<semaphore_mem>>) src(%arg9 : memref<128x128xf32, #tpu.memory_space<vmem>>) dst(%dma_wait3A_36 : memref<128x128xf32, #tpu.memory_space<vmem_shared>>)
        tpu.yield
      }) : () -> ()
    }
    %scan3A_11 = arith.constant 5 : i32
    "tpu.region"() ({
      %run_scoped3A = tpu.sem_alloc : memref<!tpu.dma_semaphore, #tpu.memory_space<semaphore_mem>>
      %dma_start3A = arith.constant 0 : i32
      %dma_start3A_23 = arith.constant 0 : i32
      %dma_start3A_24 = tpu.memref_slice %arg3[%add3A, %dma_start3A, %dma_start3A_23] : memref<32x79x128xi32, #tpu.memory_space<hbm>> -> memref<1x79x128xi32, #tpu.memory_space<hbm>>
      %dma_start3A_25 = tpu.memref_squeeze %dma_start3A_24 : memref<1x79x128xi32, #tpu.memory_space<hbm>> -> memref<79x128xi32, #tpu.memory_space<hbm>>
      %dma_start3A_26 = arith.constant 0 : i32
      %dma_start3A_27 = arith.constant 0 : i32
      %dma_start3A_28 = tpu.memref_slice %arg3[%add3A, %dma_start3A_26, %dma_start3A_27] : memref<32x79x128xi32, #tpu.memory_space<hbm>> -> memref<1x79x128xi32, #tpu.memory_space<hbm>>
      %dma_start3A_29 = tpu.memref_squeeze %dma_start3A_28 : memref<1x79x128xi32, #tpu.memory_space<hbm>> -> memref<79x128xi32, #tpu.memory_space<hbm>>
      tpu.enqueue_dma source(%dma_start3A_29 : memref<79x128xi32, #tpu.memory_space<hbm>>) target(%arg7 : memref<79x128xi32, #tpu.memory_space<vmem>>) target_semaphore(%run_scoped3A : memref<!tpu.dma_semaphore, #tpu.memory_space<semaphore_mem>>)
      %dma_wait3A = arith.constant 0 : i32
      %dma_wait3A_30 = arith.constant 0 : i32
      %dma_wait3A_31 = tpu.memref_slice %arg3[%add3A, %dma_wait3A, %dma_wait3A_30] : memref<32x79x128xi32, #tpu.memory_space<hbm>> -> memref<1x79x128xi32, #tpu.memory_space<hbm>>
      %dma_wait3A_32 = tpu.memref_squeeze %dma_wait3A_31 : memref<1x79x128xi32, #tpu.memory_space<hbm>> -> memref<79x128xi32, #tpu.memory_space<hbm>>
      %dma_wait3A_33 = arith.constant 0 : i32
      %dma_wait3A_34 = arith.constant 0 : i32
      %dma_wait3A_35 = tpu.memref_slice %arg3[%add3A, %dma_wait3A_33, %dma_wait3A_34] : memref<32x79x128xi32, #tpu.memory_space<hbm>> -> memref<1x79x128xi32, #tpu.memory_space<hbm>>
      %dma_wait3A_36 = tpu.memref_squeeze %dma_wait3A_35 : memref<1x79x128xi32, #tpu.memory_space<hbm>> -> memref<79x128xi32, #tpu.memory_space<hbm>>
      tpu.wait_dma2 semaphore(%run_scoped3A : memref<!tpu.dma_semaphore, #tpu.memory_space<semaphore_mem>>) src(%dma_wait3A_36 : memref<79x128xi32, #tpu.memory_space<hbm>>) dst(%arg7 : memref<79x128xi32, #tpu.memory_space<vmem>>)
      tpu.yield
    }) : () -> ()
    "tpu.region"() ({
      %run_scoped3A = tpu.sem_alloc : memref<!tpu.dma_semaphore, #tpu.memory_space<semaphore_mem>>
      %dma_start3A = arith.constant 0 : i32
      %dma_start3A_23 = arith.constant 0 : i32
      %dma_start3A_24 = tpu.memref_slice %arg4[%add3A, %dma_start3A, %dma_start3A_23] : memref<32x79x128xi32, #tpu.memory_space<hbm>> -> memref<1x79x128xi32, #tpu.memory_space<hbm>>
      %dma_start3A_25 = tpu.memref_squeeze %dma_start3A_24 : memref<1x79x128xi32, #tpu.memory_space<hbm>> -> memref<79x128xi32, #tpu.memory_space<hbm>>
      %dma_start3A_26 = arith.constant 0 : i32
      %dma_start3A_27 = arith.constant 0 : i32
      %dma_start3A_28 = tpu.memref_slice %arg4[%add3A, %dma_start3A_26, %dma_start3A_27] : memref<32x79x128xi32, #tpu.memory_space<hbm>> -> memref<1x79x128xi32, #tpu.memory_space<hbm>>
      %dma_start3A_29 = tpu.memref_squeeze %dma_start3A_28 : memref<1x79x128xi32, #tpu.memory_space<hbm>> -> memref<79x128xi32, #tpu.memory_space<hbm>>
      tpu.enqueue_dma source(%dma_start3A_29 : memref<79x128xi32, #tpu.memory_space<hbm>>) target(%arg8 : memref<79x128xi32, #tpu.memory_space<vmem>>) target_semaphore(%run_scoped3A : memref<!tpu.dma_semaphore, #tpu.memory_space<semaphore_mem>>)
      %dma_wait3A = arith.constant 0 : i32
      %dma_wait3A_30 = arith.constant 0 : i32
      %dma_wait3A_31 = tpu.memref_slice %arg4[%add3A, %dma_wait3A, %dma_wait3A_30] : memref<32x79x128xi32, #tpu.memory_space<hbm>> -> memref<1x79x128xi32, #tpu.memory_space<hbm>>
      %dma_wait3A_32 = tpu.memref_squeeze %dma_wait3A_31 : memref<1x79x128xi32, #tpu.memory_space<hbm>> -> memref<79x128xi32, #tpu.memory_space<hbm>>
      %dma_wait3A_33 = arith.constant 0 : i32
      %dma_wait3A_34 = arith.constant 0 : i32
      %dma_wait3A_35 = tpu.memref_slice %arg4[%add3A, %dma_wait3A_33, %dma_wait3A_34] : memref<32x79x128xi32, #tpu.memory_space<hbm>> -> memref<1x79x128xi32, #tpu.memory_space<hbm>>
      %dma_wait3A_36 = tpu.memref_squeeze %dma_wait3A_35 : memref<1x79x128xi32, #tpu.memory_space<hbm>> -> memref<79x128xi32, #tpu.memory_space<hbm>>
      tpu.wait_dma2 semaphore(%run_scoped3A : memref<!tpu.dma_semaphore, #tpu.memory_space<semaphore_mem>>) src(%dma_wait3A_36 : memref<79x128xi32, #tpu.memory_space<hbm>>) dst(%arg8 : memref<79x128xi32, #tpu.memory_space<vmem>>)
      tpu.yield
    }) : () -> ()
    %barrier3A = arith.constant 0 : index
    tpu.barrier barrier_id(%barrier3A)
    %scan3A_12 = arith.constant 0 : i32
    %scan3A_13 = arith.constant 79 : i32
    %scan3A_14 = arith.addi %scan3A_12, %scan3A_13 : i32
    %scan3A_15 = arith.constant 1 : i32
    scf.for %scan3A_23 = %scan3A_12 to %scan3A_14 step %scan3A_15  : i32 {
      %mul3A_24 = arith.constant 1 : i32
      %mul3A_25 = arith.muli %scan3A_23, %mul3A_24 : i32
      %add3A_26 = arith.constant 0 : i32
      %add3A_27 = arith.addi %add3A_26, %mul3A_25 : i32
      %dma_start3A = arith.constant 0 : i32
      %dma_start3A_28 = tpu.memref_slice %arg7[%add3A_27, %dma_start3A] : memref<79x128xi32, #tpu.memory_space<vmem>> -> memref<1x128xi32, #tpu.memory_space<vmem>>
      %dma_start3A_29 = tpu.memref_squeeze %dma_start3A_28 : memref<1x128xi32, #tpu.memory_space<vmem>> -> memref<128xi32, #tpu.memory_space<vmem>>
      %dma_start3A_30 = arith.constant 0 : i32
      %dma_start3A_31 = arith.constant 0 : i32
      %dma_start3A_32 = tpu.memref_slice %arg2[%dma_start3A_30, %dma_start3A_31] : memref<10000x128xf32, #tpu.memory_space<hbm>> -> memref<10000x128xf32, #tpu.memory_space<hbm>>
      tpu.enqueue_indirect_dma source(%dma_start3A_32 : memref<10000x128xf32, #tpu.memory_space<hbm>>) target(%arg9 : memref<128x128xf32, #tpu.memory_space<vmem>>) offsets(%dma_start3A_29 : memref<128xi32, #tpu.memory_space<vmem>>) semaphore(%arg10 : memref<!tpu.dma_semaphore, #tpu.memory_space<semaphore_mem>>)
      %dma_wait3A = arith.constant 0 : i32
      %dma_wait3A_33 = tpu.memref_slice %arg7[%add3A_27, %dma_wait3A] : memref<79x128xi32, #tpu.memory_space<vmem>> -> memref<1x128xi32, #tpu.memory_space<vmem>>
      %dma_wait3A_34 = tpu.memref_squeeze %dma_wait3A_33 : memref<1x128xi32, #tpu.memory_space<vmem>> -> memref<128xi32, #tpu.memory_space<vmem>>
      %dma_wait3A_35 = arith.constant 0 : i32
      %dma_wait3A_36 = arith.constant 0 : i32
      %dma_wait3A_37 = tpu.memref_slice %arg2[%dma_wait3A_35, %dma_wait3A_36] : memref<10000x128xf32, #tpu.memory_space<hbm>> -> memref<10000x128xf32, #tpu.memory_space<hbm>>
      tpu.wait_indirect_dma semaphore(%arg10 : memref<!tpu.dma_semaphore, #tpu.memory_space<semaphore_mem>>) src(%dma_wait3A_37 : memref<10000x128xf32, #tpu.memory_space<hbm>>) dst(%arg9 : memref<128x128xf32, #tpu.memory_space<vmem>>)
      "tpu.region"() ({
        %run_scoped3A = tpu.sem_alloc : memref<!tpu.dma_semaphore, #tpu.memory_space<semaphore_mem>>
        %dma_start3A_38 = arith.constant 0 : i32
        %dma_start3A_39 = tpu.memref_slice %arg8[%add3A_27, %dma_start3A_38] : memref<79x128xi32, #tpu.memory_space<vmem>> -> memref<1x128xi32, #tpu.memory_space<vmem>>
        %dma_start3A_40 = tpu.memref_squeeze %dma_start3A_39 : memref<1x128xi32, #tpu.memory_space<vmem>> -> memref<128xi32, #tpu.memory_space<vmem>>
        %dma_start3A_41 = arith.constant 0 : i32
        %dma_start3A_42 = arith.constant 0 : i32
        %dma_start3A_43 = tpu.memref_slice %arg6[%dma_start3A_41, %dma_start3A_42] : memref<10240x128xf32, #tpu.memory_space<vmem_shared>> -> memref<10240x128xf32, #tpu.memory_space<vmem_shared>>
        tpu.enqueue_indirect_dma source(%arg9 : memref<128x128xf32, #tpu.memory_space<vmem>>) target(%dma_start3A_43 : memref<10240x128xf32, #tpu.memory_space<vmem_shared>>) offsets(%dma_start3A_40 : memref<128xi32, #tpu.memory_space<vmem>>) semaphore(%run_scoped3A : memref<!tpu.dma_semaphore, #tpu.memory_space<semaphore_mem>>) {add = true}
        %dma_wait3A_44 = arith.constant 0 : i32
        %dma_wait3A_45 = tpu.memref_slice %arg8[%add3A_27, %dma_wait3A_44] : memref<79x128xi32, #tpu.memory_space<vmem>> -> memref<1x128xi32, #tpu.memory_space<vmem>>
        %dma_wait3A_46 = tpu.memref_squeeze %dma_wait3A_45 : memref<1x128xi32, #tpu.memory_space<vmem>> -> memref<128xi32, #tpu.memory_space<vmem>>
        %dma_wait3A_47 = arith.constant 0 : i32
        %dma_wait3A_48 = arith.constant 0 : i32
        %dma_wait3A_49 = tpu.memref_slice %arg6[%dma_wait3A_47, %dma_wait3A_48] : memref<10240x128xf32, #tpu.memory_space<vmem_shared>> -> memref<10240x128xf32, #tpu.memory_space<vmem_shared>>
        tpu.wait_indirect_dma semaphore(%run_scoped3A : memref<!tpu.dma_semaphore, #tpu.memory_space<semaphore_mem>>) src(%arg9 : memref<128x128xf32, #tpu.memory_space<vmem>>) dst(%dma_wait3A_49 : memref<10240x128xf32, #tpu.memory_space<vmem_shared>>)
        tpu.yield
      }) : () -> ()
    }
    %scan3A_16 = arith.constant 79 : i32
    %barrier3A_17 = arith.constant 0 : index
    tpu.barrier barrier_id(%barrier3A_17)
    %scan3A_18 = arith.constant 0 : i32
    %scan3A_19 = arith.constant 5 : i32
    %scan3A_20 = arith.addi %scan3A_18, %scan3A_19 : i32
    %scan3A_21 = arith.constant 1 : i32
    scf.for %scan3A_23 = %scan3A_18 to %scan3A_20 step %scan3A_21  : i32 {
      %mul3A_24 = arith.constant 1 : i32
      %mul3A_25 = arith.muli %scan3A_23, %mul3A_24 : i32
      %add3A_26 = arith.constant 0 : i32
      %add3A_27 = arith.addi %add3A_26, %mul3A_25 : i32
      %mul3A_28 = arith.constant 128 : i32
      %mul3A_29 = arith.muli %add3A_27, %mul3A_28 : i32
      %add3A_30 = arith.addi %mul3A_2, %mul3A_29 : i32
      "tpu.region"() ({
        %run_scoped3A = tpu.sem_alloc : memref<!tpu.dma_semaphore, #tpu.memory_space<semaphore_mem>>
        %dma_start3A = arith.constant 0 : i32
        %dma_start3A_31 = tpu.memref_slice %arg6[%add3A_30, %dma_start3A] : memref<10240x128xf32, #tpu.memory_space<vmem_shared>> -> memref<128x128xf32, #tpu.memory_space<vmem_shared>>
        %dma_start3A_32 = arith.constant 0 : i32
        %dma_start3A_33 = tpu.memref_slice %arg6[%add3A_30, %dma_start3A_32] : memref<10240x128xf32, #tpu.memory_space<vmem_shared>> -> memref<128x128xf32, #tpu.memory_space<vmem_shared>>
        tpu.enqueue_dma source(%dma_start3A_33 : memref<128x128xf32, #tpu.memory_space<vmem_shared>>) target(%arg9 : memref<128x128xf32, #tpu.memory_space<vmem>>) target_semaphore(%run_scoped3A : memref<!tpu.dma_semaphore, #tpu.memory_space<semaphore_mem>>)
        %dma_wait3A = arith.constant 0 : i32
        %dma_wait3A_34 = tpu.memref_slice %arg6[%add3A_30, %dma_wait3A] : memref<10240x128xf32, #tpu.memory_space<vmem_shared>> -> memref<128x128xf32, #tpu.memory_space<vmem_shared>>
        %dma_wait3A_35 = arith.constant 0 : i32
        %dma_wait3A_36 = tpu.memref_slice %arg6[%add3A_30, %dma_wait3A_35] : memref<10240x128xf32, #tpu.memory_space<vmem_shared>> -> memref<128x128xf32, #tpu.memory_space<vmem_shared>>
        tpu.wait_dma2 semaphore(%run_scoped3A : memref<!tpu.dma_semaphore, #tpu.memory_space<semaphore_mem>>) src(%dma_wait3A_36 : memref<128x128xf32, #tpu.memory_space<vmem_shared>>) dst(%arg9 : memref<128x128xf32, #tpu.memory_space<vmem>>)
        tpu.yield
      }) : () -> ()
      "tpu.region"() ({
        %run_scoped3A = tpu.sem_alloc : memref<!tpu.dma_semaphore, #tpu.memory_space<semaphore_mem>>
        %dma_start3A = arith.constant 0 : i32
        %dma_start3A_31 = tpu.memref_slice %arg5[%arg0, %add3A_30, %dma_start3A] : memref<2x10240x128xf32, #tpu.memory_space<hbm>> -> memref<1x128x128xf32, #tpu.memory_space<hbm>>
        %dma_start3A_32 = tpu.memref_squeeze %dma_start3A_31 : memref<1x128x128xf32, #tpu.memory_space<hbm>> -> memref<128x128xf32, #tpu.memory_space<hbm>>
        %dma_start3A_33 = arith.constant 0 : i32
        %dma_start3A_34 = tpu.memref_slice %arg5[%arg0, %add3A_30, %dma_start3A_33] : memref<2x10240x128xf32, #tpu.memory_space<hbm>> -> memref<1x128x128xf32, #tpu.memory_space<hbm>>
        %dma_start3A_35 = tpu.memref_squeeze %dma_start3A_34 : memref<1x128x128xf32, #tpu.memory_space<hbm>> -> memref<128x128xf32, #tpu.memory_space<hbm>>
        tpu.enqueue_dma source(%arg9 : memref<128x128xf32, #tpu.memory_space<vmem>>) target(%dma_start3A_35 : memref<128x128xf32, #tpu.memory_space<hbm>>) target_semaphore(%run_scoped3A : memref<!tpu.dma_semaphore, #tpu.memory_space<semaphore_mem>>)
        %dma_wait3A = arith.constant 0 : i32
        %dma_wait3A_36 = tpu.memref_slice %arg5[%arg0, %add3A_30, %dma_wait3A] : memref<2x10240x128xf32, #tpu.memory_space<hbm>> -> memref<1x128x128xf32, #tpu.memory_space<hbm>>
        %dma_wait3A_37 = tpu.memref_squeeze %dma_wait3A_36 : memref<1x128x128xf32, #tpu.memory_space<hbm>> -> memref<128x128xf32, #tpu.memory_space<hbm>>
        %dma_wait3A_38 = arith.constant 0 : i32
        %dma_wait3A_39 = tpu.memref_slice %arg5[%arg0, %add3A_30, %dma_wait3A_38] : memref<2x10240x128xf32, #tpu.memory_space<hbm>> -> memref<1x128x128xf32, #tpu.memory_space<hbm>>
        %dma_wait3A_40 = tpu.memref_squeeze %dma_wait3A_39 : memref<1x128x128xf32, #tpu.memory_space<hbm>> -> memref<128x128xf32, #tpu.memory_space<hbm>>
        tpu.wait_dma2 semaphore(%run_scoped3A : memref<!tpu.dma_semaphore, #tpu.memory_space<semaphore_mem>>) src(%arg9 : memref<128x128xf32, #tpu.memory_space<vmem>>) dst(%dma_wait3A_40 : memref<128x128xf32, #tpu.memory_space<hbm>>)
        tpu.yield
      }) : () -> ()
    }
    %scan3A_22 = arith.constant 5 : i32
    return
  }
}

#map = affine_map<(d0, d1) -> (0, 0)>
#map1 = affine_map<(d0, d1) -> (0, 0, 0)>
module attributes {stable_mosaic.version = 14 : i64} {
  func.func @_agg_body(%arg0: i32, %arg1: i32, %arg2: memref<10000x128xf32, #tpu.memory_space<hbm>>, %arg3: memref<32x79x128xi32, #tpu.memory_space<hbm>>, %arg4: memref<32x79x128xi32, #tpu.memory_space<hbm>>, %arg5: memref<2x10240x128xf32, #tpu.memory_space<hbm>>, %arg6: memref<10240x128xf32, #tpu.memory_space<vmem_shared>>, %arg7: memref<79x128xi32, #tpu.memory_space<vmem>>, %arg8: memref<79x128xi32, #tpu.memory_space<vmem>>, %arg9: memref<128x128xf32, #tpu.memory_space<vmem>>, %arg10: memref<!tpu.dma_semaphore, #tpu.memory_space<semaphore_mem>>) attributes {dimension_semantics = [#tpu.dimension_semantics<core_parallel>, #tpu.dimension_semantics<subcore_parallel>], iteration_bounds = array<i64: 2, 16>, scalar_prefetch = 0 : i64, scratch_operands = 5 : i64, tpu.core_type = #tpu.core_type<sc_vector_subcore>, window_params = [{transform_indices = #map}, {transform_indices = #map1}, {transform_indices = #map1}, {transform_indices = #map1}]} {
    %mul3A = arith.constant 16 : i32
    %mul3A_0 = arith.muli %arg0, %mul3A : i32
    %add3A = arith.addi %mul3A_0, %arg1 : i32
    %mul3A_1 = arith.constant 640 : i32
    %mul3A_2 = arith.muli %arg1, %mul3A_1 : i32
    %scan3A = arith.constant 0 : i32
    %scan3A_3 = arith.constant 128 : i32
    %scan3A_4 = arith.addi %scan3A, %scan3A_3 : i32
    %scan3A_5 = arith.constant 1 : i32
    scf.for %scan3A_23 = %scan3A to %scan3A_4 step %scan3A_5  : i32 {
      %mul3A_24 = arith.constant 1 : i32
      %mul3A_25 = arith.muli %scan3A_23, %mul3A_24 : i32
      %add3A_26 = arith.constant 0 : i32
      %add3A_27 = arith.addi %add3A_26, %mul3A_25 : i32
      %scan3A_28 = arith.constant 0 : i32
      %scan3A_29 = arith.constant 8 : i32
      %scan3A_30 = arith.addi %scan3A_28, %scan3A_29 : i32
      %scan3A_31 = arith.constant 1 : i32
      scf.for %scan3A_33 = %scan3A_28 to %scan3A_30 step %scan3A_31  : i32 {
        %mul3A_34 = arith.constant 1 : i32
        %mul3A_35 = arith.muli %scan3A_33, %mul3A_34 : i32
        %add3A_36 = arith.constant 0 : i32
        %add3A_37 = arith.addi %add3A_36, %mul3A_35 : i32
        %broadcast_in_dim3A = arith.constant 0.000000e+00 : f32
        %broadcast_in_dim3A_38 = vector.broadcast %broadcast_in_dim3A : f32 to vector<16xf32>
        %mul3A_39 = arith.constant 16 : i32
        %mul3A_40 = arith.muli %add3A_37, %mul3A_39 : i32
        %swap3A = arith.index_cast %add3A_27 : i32 to index
        %swap3A_41 = arith.index_cast %mul3A_40 : i32 to index
        %swap3A_42 = tpu.vector_load %arg9[%swap3A, %swap3A_41] {strides = array<i32>} : memref<128x128xf32, #tpu.memory_space<vmem>>, vector<1x16xf32>,
        %swap3A_43 = vector.shape_cast %swap3A_42 : vector<1x16xf32> to vector<16xf32>
        %swap3A_44 = vector.shape_cast %broadcast_in_dim3A_38 : vector<16xf32> to vector<1x16xf32>
        tpu.vector_store %arg9[%swap3A, %swap3A_41], %swap3A_44 {strides = array<i32>} : memref<128x128xf32, #tpu.memory_space<vmem>>, vector<1x16xf32>,
      }
      %scan3A_32 = arith.constant 8 : i32
    }
    %scan3A_6 = arith.constant 128 : i32
    %scan3A_7 = arith.constant 0 : i32
    %scan3A_8 = arith.constant 5 : i32
    %scan3A_9 = arith.addi %scan3A_7, %scan3A_8 : i32
    %scan3A_10 = arith.constant 1 : i32
    scf.for %scan3A_23 = %scan3A_7 to %scan3A_9 step %scan3A_10  : i32 {
      %mul3A_24 = arith.constant 1 : i32
      %mul3A_25 = arith.muli %scan3A_23, %mul3A_24 : i32
      %add3A_26 = arith.constant 0 : i32
      %add3A_27 = arith.addi %add3A_26, %mul3A_25 : i32
      %mul3A_28 = arith.constant 128 : i32
      %mul3A_29 = arith.muli %add3A_27, %mul3A_28 : i32
      %add3A_30 = arith.addi %mul3A_2, %mul3A_29 : i32
      "tpu.region"() ({
        %run_scoped3A = tpu.sem_alloc : memref<!tpu.dma_semaphore, #tpu.memory_space<semaphore_mem>>
        %dma_start3A = arith.constant 0 : i32
        %dma_start3A_31 = tpu.memref_slice %arg6[%add3A_30, %dma_start3A] : memref<10240x128xf32, #tpu.memory_space<vmem_shared>> -> memref<128x128xf32, #tpu.memory_space<vmem_shared>>
        %dma_start3A_32 = arith.constant 0 : i32
        %dma_start3A_33 = tpu.memref_slice %arg6[%add3A_30, %dma_start3A_32] : memref<10240x128xf32, #tpu.memory_space<vmem_shared>> -> memref<128x128xf32, #tpu.memory_space<vmem_shared>>
        tpu.enqueue_dma source(%arg9 : memref<128x128xf32, #tpu.memory_space<vmem>>) target(%dma_start3A_33 : memref<128x128xf32, #tpu.memory_space<vmem_shared>>) target_semaphore(%run_scoped3A : memref<!tpu.dma_semaphore, #tpu.memory_space<semaphore_mem>>)
        %dma_wait3A = arith.constant 0 : i32
        %dma_wait3A_34 = tpu.memref_slice %arg6[%add3A_30, %dma_wait3A] : memref<10240x128xf32, #tpu.memory_space<vmem_shared>> -> memref<128x128xf32, #tpu.memory_space<vmem_shared>>
        %dma_wait3A_35 = arith.constant 0 : i32
        %dma_wait3A_36 = tpu.memref_slice %arg6[%add3A_30, %dma_wait3A_35] : memref<10240x128xf32, #tpu.memory_space<vmem_shared>> -> memref<128x128xf32, #tpu.memory_space<vmem_shared>>
        tpu.wait_dma2 semaphore(%run_scoped3A : memref<!tpu.dma_semaphore, #tpu.memory_space<semaphore_mem>>) src(%arg9 : memref<128x128xf32, #tpu.memory_space<vmem>>) dst(%dma_wait3A_36 : memref<128x128xf32, #tpu.memory_space<vmem_shared>>)
        tpu.yield
      }) : () -> ()
    }
    %scan3A_11 = arith.constant 5 : i32
    "tpu.region"() ({
      %run_scoped3A = tpu.sem_alloc : memref<!tpu.dma_semaphore, #tpu.memory_space<semaphore_mem>>
      %dma_start3A = arith.constant 0 : i32
      %dma_start3A_23 = arith.constant 0 : i32
      %dma_start3A_24 = tpu.memref_slice %arg3[%add3A, %dma_start3A, %dma_start3A_23] : memref<32x79x128xi32, #tpu.memory_space<hbm>> -> memref<1x79x128xi32, #tpu.memory_space<hbm>>
      %dma_start3A_25 = tpu.memref_squeeze %dma_start3A_24 : memref<1x79x128xi32, #tpu.memory_space<hbm>> -> memref<79x128xi32, #tpu.memory_space<hbm>>
      %dma_start3A_26 = arith.constant 0 : i32
      %dma_start3A_27 = arith.constant 0 : i32
      %dma_start3A_28 = tpu.memref_slice %arg3[%add3A, %dma_start3A_26, %dma_start3A_27] : memref<32x79x128xi32, #tpu.memory_space<hbm>> -> memref<1x79x128xi32, #tpu.memory_space<hbm>>
      %dma_start3A_29 = tpu.memref_squeeze %dma_start3A_28 : memref<1x79x128xi32, #tpu.memory_space<hbm>> -> memref<79x128xi32, #tpu.memory_space<hbm>>
      tpu.enqueue_dma source(%dma_start3A_29 : memref<79x128xi32, #tpu.memory_space<hbm>>) target(%arg7 : memref<79x128xi32, #tpu.memory_space<vmem>>) target_semaphore(%run_scoped3A : memref<!tpu.dma_semaphore, #tpu.memory_space<semaphore_mem>>)
      %dma_wait3A = arith.constant 0 : i32
      %dma_wait3A_30 = arith.constant 0 : i32
      %dma_wait3A_31 = tpu.memref_slice %arg3[%add3A, %dma_wait3A, %dma_wait3A_30] : memref<32x79x128xi32, #tpu.memory_space<hbm>> -> memref<1x79x128xi32, #tpu.memory_space<hbm>>
      %dma_wait3A_32 = tpu.memref_squeeze %dma_wait3A_31 : memref<1x79x128xi32, #tpu.memory_space<hbm>> -> memref<79x128xi32, #tpu.memory_space<hbm>>
      %dma_wait3A_33 = arith.constant 0 : i32
      %dma_wait3A_34 = arith.constant 0 : i32
      %dma_wait3A_35 = tpu.memref_slice %arg3[%add3A, %dma_wait3A_33, %dma_wait3A_34] : memref<32x79x128xi32, #tpu.memory_space<hbm>> -> memref<1x79x128xi32, #tpu.memory_space<hbm>>
      %dma_wait3A_36 = tpu.memref_squeeze %dma_wait3A_35 : memref<1x79x128xi32, #tpu.memory_space<hbm>> -> memref<79x128xi32, #tpu.memory_space<hbm>>
      tpu.wait_dma2 semaphore(%run_scoped3A : memref<!tpu.dma_semaphore, #tpu.memory_space<semaphore_mem>>) src(%dma_wait3A_36 : memref<79x128xi32, #tpu.memory_space<hbm>>) dst(%arg7 : memref<79x128xi32, #tpu.memory_space<vmem>>)
      tpu.yield
    }) : () -> ()
    "tpu.region"() ({
      %run_scoped3A = tpu.sem_alloc : memref<!tpu.dma_semaphore, #tpu.memory_space<semaphore_mem>>
      %dma_start3A = arith.constant 0 : i32
      %dma_start3A_23 = arith.constant 0 : i32
      %dma_start3A_24 = tpu.memref_slice %arg4[%add3A, %dma_start3A, %dma_start3A_23] : memref<32x79x128xi32, #tpu.memory_space<hbm>> -> memref<1x79x128xi32, #tpu.memory_space<hbm>>
      %dma_start3A_25 = tpu.memref_squeeze %dma_start3A_24 : memref<1x79x128xi32, #tpu.memory_space<hbm>> -> memref<79x128xi32, #tpu.memory_space<hbm>>
      %dma_start3A_26 = arith.constant 0 : i32
      %dma_start3A_27 = arith.constant 0 : i32
      %dma_start3A_28 = tpu.memref_slice %arg4[%add3A, %dma_start3A_26, %dma_start3A_27] : memref<32x79x128xi32, #tpu.memory_space<hbm>> -> memref<1x79x128xi32, #tpu.memory_space<hbm>>
      %dma_start3A_29 = tpu.memref_squeeze %dma_start3A_28 : memref<1x79x128xi32, #tpu.memory_space<hbm>> -> memref<79x128xi32, #tpu.memory_space<hbm>>
      tpu.enqueue_dma source(%dma_start3A_29 : memref<79x128xi32, #tpu.memory_space<hbm>>) target(%arg8 : memref<79x128xi32, #tpu.memory_space<vmem>>) target_semaphore(%run_scoped3A : memref<!tpu.dma_semaphore, #tpu.memory_space<semaphore_mem>>)
      %dma_wait3A = arith.constant 0 : i32
      %dma_wait3A_30 = arith.constant 0 : i32
      %dma_wait3A_31 = tpu.memref_slice %arg4[%add3A, %dma_wait3A, %dma_wait3A_30] : memref<32x79x128xi32, #tpu.memory_space<hbm>> -> memref<1x79x128xi32, #tpu.memory_space<hbm>>
      %dma_wait3A_32 = tpu.memref_squeeze %dma_wait3A_31 : memref<1x79x128xi32, #tpu.memory_space<hbm>> -> memref<79x128xi32, #tpu.memory_space<hbm>>
      %dma_wait3A_33 = arith.constant 0 : i32
      %dma_wait3A_34 = arith.constant 0 : i32
      %dma_wait3A_35 = tpu.memref_slice %arg4[%add3A, %dma_wait3A_33, %dma_wait3A_34] : memref<32x79x128xi32, #tpu.memory_space<hbm>> -> memref<1x79x128xi32, #tpu.memory_space<hbm>>
      %dma_wait3A_36 = tpu.memref_squeeze %dma_wait3A_35 : memref<1x79x128xi32, #tpu.memory_space<hbm>> -> memref<79x128xi32, #tpu.memory_space<hbm>>
      tpu.wait_dma2 semaphore(%run_scoped3A : memref<!tpu.dma_semaphore, #tpu.memory_space<semaphore_mem>>) src(%dma_wait3A_36 : memref<79x128xi32, #tpu.memory_space<hbm>>) dst(%arg8 : memref<79x128xi32, #tpu.memory_space<vmem>>)
      tpu.yield
    }) : () -> ()
    %barrier3A = arith.constant 0 : index
    tpu.barrier barrier_id(%barrier3A)
    %scan3A_12 = arith.constant 0 : i32
    %scan3A_13 = arith.constant 79 : i32
    %scan3A_14 = arith.addi %scan3A_12, %scan3A_13 : i32
    %scan3A_15 = arith.constant 1 : i32
    scf.for %scan3A_23 = %scan3A_12 to %scan3A_14 step %scan3A_15  : i32 {
      %mul3A_24 = arith.constant 1 : i32
      %mul3A_25 = arith.muli %scan3A_23, %mul3A_24 : i32
      %add3A_26 = arith.constant 0 : i32
      %add3A_27 = arith.addi %add3A_26, %mul3A_25 : i32
      %dma_start3A = arith.constant 0 : i32
      %dma_start3A_28 = tpu.memref_slice %arg7[%add3A_27, %dma_start3A] : memref<79x128xi32, #tpu.memory_space<vmem>> -> memref<1x128xi32, #tpu.memory_space<vmem>>
      %dma_start3A_29 = tpu.memref_squeeze %dma_start3A_28 : memref<1x128xi32, #tpu.memory_space<vmem>> -> memref<128xi32, #tpu.memory_space<vmem>>
      %dma_start3A_30 = arith.constant 0 : i32
      %dma_start3A_31 = arith.constant 0 : i32
      %dma_start3A_32 = tpu.memref_slice %arg2[%dma_start3A_30, %dma_start3A_31] : memref<10000x128xf32, #tpu.memory_space<hbm>> -> memref<10000x128xf32, #tpu.memory_space<hbm>>
      tpu.enqueue_indirect_dma source(%dma_start3A_32 : memref<10000x128xf32, #tpu.memory_space<hbm>>) target(%arg9 : memref<128x128xf32, #tpu.memory_space<vmem>>) offsets(%dma_start3A_29 : memref<128xi32, #tpu.memory_space<vmem>>) semaphore(%arg10 : memref<!tpu.dma_semaphore, #tpu.memory_space<semaphore_mem>>)
      %dma_wait3A = arith.constant 0 : i32
      %dma_wait3A_33 = tpu.memref_slice %arg7[%add3A_27, %dma_wait3A] : memref<79x128xi32, #tpu.memory_space<vmem>> -> memref<1x128xi32, #tpu.memory_space<vmem>>
      %dma_wait3A_34 = tpu.memref_squeeze %dma_wait3A_33 : memref<1x128xi32, #tpu.memory_space<vmem>> -> memref<128xi32, #tpu.memory_space<vmem>>
      %dma_wait3A_35 = arith.constant 0 : i32
      %dma_wait3A_36 = arith.constant 0 : i32
      %dma_wait3A_37 = tpu.memref_slice %arg2[%dma_wait3A_35, %dma_wait3A_36] : memref<10000x128xf32, #tpu.memory_space<hbm>> -> memref<10000x128xf32, #tpu.memory_space<hbm>>
      tpu.wait_indirect_dma semaphore(%arg10 : memref<!tpu.dma_semaphore, #tpu.memory_space<semaphore_mem>>) src(%dma_wait3A_37 : memref<10000x128xf32, #tpu.memory_space<hbm>>) dst(%arg9 : memref<128x128xf32, #tpu.memory_space<vmem>>)
      "tpu.region"() ({
        %run_scoped3A = tpu.sem_alloc : memref<!tpu.dma_semaphore, #tpu.memory_space<semaphore_mem>>
        %dma_start3A_38 = arith.constant 0 : i32
        %dma_start3A_39 = tpu.memref_slice %arg8[%add3A_27, %dma_start3A_38] : memref<79x128xi32, #tpu.memory_space<vmem>> -> memref<1x128xi32, #tpu.memory_space<vmem>>
        %dma_start3A_40 = tpu.memref_squeeze %dma_start3A_39 : memref<1x128xi32, #tpu.memory_space<vmem>> -> memref<128xi32, #tpu.memory_space<vmem>>
        %dma_start3A_41 = arith.constant 0 : i32
        %dma_start3A_42 = arith.constant 0 : i32
        %dma_start3A_43 = tpu.memref_slice %arg6[%dma_start3A_41, %dma_start3A_42] : memref<10240x128xf32, #tpu.memory_space<vmem_shared>> -> memref<10240x128xf32, #tpu.memory_space<vmem_shared>>
        tpu.enqueue_indirect_dma source(%arg9 : memref<128x128xf32, #tpu.memory_space<vmem>>) target(%dma_start3A_43 : memref<10240x128xf32, #tpu.memory_space<vmem_shared>>) offsets(%dma_start3A_40 : memref<128xi32, #tpu.memory_space<vmem>>) semaphore(%run_scoped3A : memref<!tpu.dma_semaphore, #tpu.memory_space<semaphore_mem>>) {add = true}
        %dma_wait3A_44 = arith.constant 0 : i32
        %dma_wait3A_45 = tpu.memref_slice %arg8[%add3A_27, %dma_wait3A_44] : memref<79x128xi32, #tpu.memory_space<vmem>> -> memref<1x128xi32, #tpu.memory_space<vmem>>
        %dma_wait3A_46 = tpu.memref_squeeze %dma_wait3A_45 : memref<1x128xi32, #tpu.memory_space<vmem>> -> memref<128xi32, #tpu.memory_space<vmem>>
        %dma_wait3A_47 = arith.constant 0 : i32
        %dma_wait3A_48 = arith.constant 0 : i32
        %dma_wait3A_49 = tpu.memref_slice %arg6[%dma_wait3A_47, %dma_wait3A_48] : memref<10240x128xf32, #tpu.memory_space<vmem_shared>> -> memref<10240x128xf32, #tpu.memory_space<vmem_shared>>
        tpu.wait_indirect_dma semaphore(%run_scoped3A : memref<!tpu.dma_semaphore, #tpu.memory_space<semaphore_mem>>) src(%arg9 : memref<128x128xf32, #tpu.memory_space<vmem>>) dst(%dma_wait3A_49 : memref<10240x128xf32, #tpu.memory_space<vmem_shared>>)
        tpu.yield
      }) : () -> ()
    }
    %scan3A_16 = arith.constant 79 : i32
    %barrier3A_17 = arith.constant 0 : index
    tpu.barrier barrier_id(%barrier3A_17)
    %scan3A_18 = arith.constant 0 : i32
    %scan3A_19 = arith.constant 5 : i32
    %scan3A_20 = arith.addi %scan3A_18, %scan3A_19 : i32
    %scan3A_21 = arith.constant 1 : i32
    scf.for %scan3A_23 = %scan3A_18 to %scan3A_20 step %scan3A_21  : i32 {
      %mul3A_24 = arith.constant 1 : i32
      %mul3A_25 = arith.muli %scan3A_23, %mul3A_24 : i32
      %add3A_26 = arith.constant 0 : i32
      %add3A_27 = arith.addi %add3A_26, %mul3A_25 : i32
      %mul3A_28 = arith.constant 128 : i32
      %mul3A_29 = arith.muli %add3A_27, %mul3A_28 : i32
      %add3A_30 = arith.addi %mul3A_2, %mul3A_29 : i32
      "tpu.region"() ({
        %run_scoped3A = tpu.sem_alloc : memref<!tpu.dma_semaphore, #tpu.memory_space<semaphore_mem>>
        %dma_start3A = arith.constant 0 : i32
        %dma_start3A_31 = tpu.memref_slice %arg6[%add3A_30, %dma_start3A] : memref<10240x128xf32, #tpu.memory_space<vmem_shared>> -> memref<128x128xf32, #tpu.memory_space<vmem_shared>>
        %dma_start3A_32 = arith.constant 0 : i32
        %dma_start3A_33 = tpu.memref_slice %arg6[%add3A_30, %dma_start3A_32] : memref<10240x128xf32, #tpu.memory_space<vmem_shared>> -> memref<128x128xf32, #tpu.memory_space<vmem_shared>>
        tpu.enqueue_dma source(%dma_start3A_33 : memref<128x128xf32, #tpu.memory_space<vmem_shared>>) target(%arg9 : memref<128x128xf32, #tpu.memory_space<vmem>>) target_semaphore(%run_scoped3A : memref<!tpu.dma_semaphore, #tpu.memory_space<semaphore_mem>>)
        %dma_wait3A = arith.constant 0 : i32
        %dma_wait3A_34 = tpu.memref_slice %arg6[%add3A_30, %dma_wait3A] : memref<10240x128xf32, #tpu.memory_space<vmem_shared>> -> memref<128x128xf32, #tpu.memory_space<vmem_shared>>
        %dma_wait3A_35 = arith.constant 0 : i32
        %dma_wait3A_36 = tpu.memref_slice %arg6[%add3A_30, %dma_wait3A_35] : memref<10240x128xf32, #tpu.memory_space<vmem_shared>> -> memref<128x128xf32, #tpu.memory_space<vmem_shared>>
        tpu.wait_dma2 semaphore(%run_scoped3A : memref<!tpu.dma_semaphore, #tpu.memory_space<semaphore_mem>>) src(%dma_wait3A_36 : memref<128x128xf32, #tpu.memory_space<vmem_shared>>) dst(%arg9 : memref<128x128xf32, #tpu.memory_space<vmem>>)
        tpu.yield
      }) : () -> ()
      "tpu.region"() ({
        %run_scoped3A = tpu.sem_alloc : memref<!tpu.dma_semaphore, #tpu.memory_space<semaphore_mem>>
        %dma_start3A = arith.constant 0 : i32
        %dma_start3A_31 = tpu.memref_slice %arg5[%arg0, %add3A_30, %dma_start3A] : memref<2x10240x128xf32, #tpu.memory_space<hbm>> -> memref<1x128x128xf32, #tpu.memory_space<hbm>>
        %dma_start3A_32 = tpu.memref_squeeze %dma_start3A_31 : memref<1x128x128xf32, #tpu.memory_space<hbm>> -> memref<128x128xf32, #tpu.memory_space<hbm>>
        %dma_start3A_33 = arith.constant 0 : i32
        %dma_start3A_34 = tpu.memref_slice %arg5[%arg0, %add3A_30, %dma_start3A_33] : memref<2x10240x128xf32, #tpu.memory_space<hbm>> -> memref<1x128x128xf32, #tpu.memory_space<hbm>>
        %dma_start3A_35 = tpu.memref_squeeze %dma_start3A_34 : memref<1x128x128xf32, #tpu.memory_space<hbm>> -> memref<128x128xf32, #tpu.memory_space<hbm>>
        tpu.enqueue_dma source(%arg9 : memref<128x128xf32, #tpu.memory_space<vmem>>) target(%dma_start3A_35 : memref<128x128xf32, #tpu.memory_space<hbm>>) target_semaphore(%run_scoped3A : memref<!tpu.dma_semaphore, #tpu.memory_space<semaphore_mem>>)
        %dma_wait3A = arith.constant 0 : i32
        %dma_wait3A_36 = tpu.memref_slice %arg5[%arg0, %add3A_30, %dma_wait3A] : memref<2x10240x128xf32, #tpu.memory_space<hbm>> -> memref<1x128x128xf32, #tpu.memory_space<hbm>>
        %dma_wait3A_37 = tpu.memref_squeeze %dma_wait3A_36 : memref<1x128x128xf32, #tpu.memory_space<hbm>> -> memref<128x128xf32, #tpu.memory_space<hbm>>
        %dma_wait3A_38 = arith.constant 0 : i32
        %dma_wait3A_39 = tpu.memref_slice %arg5[%arg0, %add3A_30, %dma_wait3A_38] : memref<2x10240x128xf32, #tpu.memory_space<hbm>> -> memref<1x128x128xf32, #tpu.memory_space<hbm>>
        %dma_wait3A_40 = tpu.memref_squeeze %dma_wait3A_39 : memref<1x128x128xf32, #tpu.memory_space<hbm>> -> memref<128x128xf32, #tpu.memory_space<hbm>>
        tpu.wait_dma2 semaphore(%run_scoped3A : memref<!tpu.dma_semaphore, #tpu.memory_space<semaphore_mem>>) src(%arg9 : memref<128x128xf32, #tpu.memory_space<vmem>>) dst(%dma_wait3A_40 : memref<128x128xf32, #tpu.memory_space<hbm>>)
        tpu.yield
      }) : () -> ()
    }
    %scan3A_22 = arith.constant 5 : i32
    return
  }
}

module attributes {stable_mosaic.version = 14 : i64} {
  func.func @_enc_body(%arg0: i32, %arg1: memref<400x128xf32, #tpu.memory_space<vmem>>, %arg2: memref<128x128xf32, #tpu.memory_space<vmem>>, %arg3: memref<1x128xf32, #tpu.memory_space<vmem>>, %arg4: memref<400x128xf32, #tpu.memory_space<vmem>>) attributes {dimension_semantics = [#tpu.dimension_semantics<arbitrary>], iteration_bounds = array<i64: 25>, scalar_prefetch = 0 : i64, scratch_operands = 0 : i64, tpu.core_type = #tpu.core_type<tc>, window_params = [{transform_indices = @transform_0, window_bounds = array<i64: 400, 128>}, {pipeline_mode = #tpu.pipeline_mode<synchronous>, transform_indices = @transform_1, window_bounds = array<i64: 128, 128>}, {pipeline_mode = #tpu.pipeline_mode<synchronous>, transform_indices = @transform_2, window_bounds = array<i64: 1, 128>}, {transform_indices = @transform_3, window_bounds = array<i64: 400, 128>}]} {
    %get3A = arith.constant 0 : index
    %get3A_0 = arith.constant 0 : index
    %get3A_1 = vector.load %arg1[%get3A, %get3A_0] : memref<400x128xf32, #tpu.memory_space<vmem>>, vector<400x128xf32>
    %get3A_2 = arith.constant 0 : index
    %get3A_3 = arith.constant 0 : index
    %get3A_4 = vector.load %arg2[%get3A_2, %get3A_3] : memref<128x128xf32, #tpu.memory_space<vmem>>, vector<128x128xf32>
    %dot_general3A = arith.constant dense<0.000000e+00> : vector<400x128xf32>
    %dot_general3A_5 = tpu.matmul %get3A_1, %get3A_4, %dot_general3A {dimension_numbers = #tpu.dot_dimension_numbers<[1], [1], [0], [0], [0, 0, 1, 0], [], []>, transpose_lhs_hint = false} : vector<400x128xf32>, vector<128x128xf32>, vector<400x128xf32> -> vector<400x128xf32>
    %get3A_6 = arith.constant 0 : index
    %get3A_7 = arith.constant 0 : index
    %get3A_8 = vector.load %arg3[%get3A_6, %get3A_7] : memref<1x128xf32, #tpu.memory_space<vmem>>, vector<1x128xf32>
    %add3A = vector.broadcast %get3A_8 : vector<1x128xf32> to vector<400x128xf32>
    %add3A_9 = arith.addf %dot_general3A_5, %add3A : vector<400x128xf32>
    %swap3A = arith.constant 0 : index
    %swap3A_10 = arith.constant 0 : index
    %swap3A_11 = vector.load %arg4[%swap3A, %swap3A_10] : memref<400x128xf32, #tpu.memory_space<vmem>>, vector<400x128xf32>
    tpu.vector_store %arg4[%swap3A, %swap3A_10], %add3A_9 {strides = array<i32>} : memref<400x128xf32, #tpu.memory_space<vmem>>, vector<400x128xf32>,
    return
  }
  func.func @transform_0(%arg0: i32) -> (i32, i32) {
    %c0_i32 = arith.constant 0 : i32
    %c0_i32_0 = arith.constant 0 : i32
    return %arg0, %c0_i32 : i32, i32
  }
  func.func @transform_1(%arg0: i32) -> (i32, i32) {
    %c0_i32 = arith.constant 0 : i32
    %c0_i32_0 = arith.constant 0 : i32
    %c0_i32_1 = arith.constant 0 : i32
    return %c0_i32, %c0_i32_0 : i32, i32
  }
  func.func @transform_2(%arg0: i32) -> (i32, i32) {
    %c0_i32 = arith.constant 0 : i32
    %c0_i32_0 = arith.constant 0 : i32
    %c0_i32_1 = arith.constant 0 : i32
    return %c0_i32, %c0_i32_0 : i32, i32
  }
  func.func @transform_3(%arg0: i32) -> (i32, i32) {
    %c0_i32 = arith.constant 0 : i32
    %c0_i32_0 = arith.constant 0 : i32
    return %arg0, %c0_i32 : i32, i32
  }
}

module attributes {stable_mosaic.version = 14 : i64} {
  func.func @_combine_body(%arg0: i32, %arg1: memref<2x400x128xf32, #tpu.memory_space<vmem>>, %arg2: memref<2x400x128xf32, #tpu.memory_space<vmem>>, %arg3: memref<400x128xf32, #tpu.memory_space<vmem>>, %arg4: memref<128x128xf32, #tpu.memory_space<vmem>>, %arg5: memref<1x128xf32, #tpu.memory_space<vmem>>, %arg6: memref<128x128xf32, #tpu.memory_space<vmem>>, %arg7: memref<400x128xf32, #tpu.memory_space<vmem>>) attributes {dimension_semantics = [#tpu.dimension_semantics<arbitrary>], iteration_bounds = array<i64: 25>, scalar_prefetch = 0 : i64, scratch_operands = 0 : i64, tpu.core_type = #tpu.core_type<tc>, window_params = [{transform_indices = @transform_0, window_bounds = array<i64: 2, 400, 128>}, {transform_indices = @transform_1, window_bounds = array<i64: 2, 400, 128>}, {transform_indices = @transform_2, window_bounds = array<i64: 400, 128>}, {pipeline_mode = #tpu.pipeline_mode<synchronous>, transform_indices = @transform_3, window_bounds = array<i64: 128, 128>}, {pipeline_mode = #tpu.pipeline_mode<synchronous>, transform_indices = @transform_4, window_bounds = array<i64: 1, 128>}, {pipeline_mode = #tpu.pipeline_mode<synchronous>, transform_indices = @transform_5, window_bounds = array<i64: 128, 128>}, {transform_indices = @transform_6, window_bounds = array<i64: 400, 128>}]} {
    %get3A = arith.constant 0 : index
    %get3A_0 = arith.constant 0 : index
    %get3A_1 = arith.constant 0 : index
    %get3A_2 = vector.load %arg2[%get3A, %get3A_0, %get3A_1] : memref<2x400x128xf32, #tpu.memory_space<vmem>>, vector<1x400x1xf32>
    %get3A_3 = vector.shape_cast %get3A_2 : vector<1x400x1xf32> to vector<400x1xf32>
    %get3A_4 = arith.constant 1 : index
    %get3A_5 = arith.constant 0 : index
    %get3A_6 = arith.constant 0 : index
    %get3A_7 = vector.load %arg2[%get3A_4, %get3A_5, %get3A_6] : memref<2x400x128xf32, #tpu.memory_space<vmem>>, vector<1x400x1xf32>
    %get3A_8 = vector.shape_cast %get3A_7 : vector<1x400x1xf32> to vector<400x1xf32>
    %add3A = arith.addf %get3A_3, %get3A_8 : vector<400x1xf32>
    %max3A = arith.constant 1.000000e+00 : f32
    %max3A_9 = vector.broadcast %max3A : f32 to vector<400x1xf32>
    %max3A_10 = arith.maximumf %add3A, %max3A_9 : vector<400x1xf32>
    %div3A = arith.constant 1.000000e+00 : f32
    %div3A_11 = vector.broadcast %div3A : f32 to vector<400x1xf32>
    %div3A_12 = arith.divf %div3A_11, %max3A_10 : vector<400x1xf32>
    %get3A_13 = arith.constant 0 : index
    %get3A_14 = arith.constant 0 : index
    %get3A_15 = arith.constant 0 : index
    %get3A_16 = vector.load %arg1[%get3A_13, %get3A_14, %get3A_15] : memref<2x400x128xf32, #tpu.memory_space<vmem>>, vector<1x400x128xf32>
    %get3A_17 = vector.shape_cast %get3A_16 : vector<1x400x128xf32> to vector<400x128xf32>
    %get3A_18 = arith.constant 1 : index
    %get3A_19 = arith.constant 0 : index
    %get3A_20 = arith.constant 0 : index
    %get3A_21 = vector.load %arg1[%get3A_18, %get3A_19, %get3A_20] : memref<2x400x128xf32, #tpu.memory_space<vmem>>, vector<1x400x128xf32>
    %get3A_22 = vector.shape_cast %get3A_21 : vector<1x400x128xf32> to vector<400x128xf32>
    %add3A_23 = arith.addf %get3A_17, %get3A_22 : vector<400x128xf32>
    %mul3A = vector.broadcast %div3A_12 : vector<400x1xf32> to vector<400x128xf32>
    %mul3A_24 = arith.mulf %add3A_23, %mul3A : vector<400x128xf32>
    %get3A_25 = arith.constant 0 : index
    %get3A_26 = arith.constant 0 : index
    %get3A_27 = vector.load %arg4[%get3A_25, %get3A_26] : memref<128x128xf32, #tpu.memory_space<vmem>>, vector<128x128xf32>
    %dot_general3A = arith.constant dense<0.000000e+00> : vector<400x128xf32>
    %dot_general3A_28 = tpu.matmul %mul3A_24, %get3A_27, %dot_general3A {dimension_numbers = #tpu.dot_dimension_numbers<[1], [1], [0], [0], [0, 0, 1, 0], [], []>, transpose_lhs_hint = false} : vector<400x128xf32>, vector<128x128xf32>, vector<400x128xf32> -> vector<400x128xf32>
    %get3A_29 = arith.constant 0 : index
    %get3A_30 = arith.constant 0 : index
    %get3A_31 = vector.load %arg3[%get3A_29, %get3A_30] : memref<400x128xf32, #tpu.memory_space<vmem>>, vector<400x128xf32>
    %get3A_32 = arith.constant 0 : index
    %get3A_33 = arith.constant 0 : index
    %get3A_34 = vector.load %arg6[%get3A_32, %get3A_33] : memref<128x128xf32, #tpu.memory_space<vmem>>, vector<128x128xf32>
    %dot_general3A_35 = arith.constant dense<0.000000e+00> : vector<400x128xf32>
    %dot_general3A_36 = tpu.matmul %get3A_31, %get3A_34, %dot_general3A_35 {dimension_numbers = #tpu.dot_dimension_numbers<[1], [1], [0], [0], [0, 0, 1, 0], [], []>, transpose_lhs_hint = false} : vector<400x128xf32>, vector<128x128xf32>, vector<400x128xf32> -> vector<400x128xf32>
    %add3A_37 = arith.addf %dot_general3A_28, %dot_general3A_36 : vector<400x128xf32>
    %get3A_38 = arith.constant 0 : index
    %get3A_39 = arith.constant 0 : index
    %get3A_40 = vector.load %arg5[%get3A_38, %get3A_39] : memref<1x128xf32, #tpu.memory_space<vmem>>, vector<1x128xf32>
    %add3A_41 = vector.broadcast %get3A_40 : vector<1x128xf32> to vector<400x128xf32>
    %add3A_42 = arith.addf %add3A_37, %add3A_41 : vector<400x128xf32>
    %swap3A = arith.constant 0 : index
    %swap3A_43 = arith.constant 0 : index
    %swap3A_44 = vector.load %arg7[%swap3A, %swap3A_43] : memref<400x128xf32, #tpu.memory_space<vmem>>, vector<400x128xf32>
    tpu.vector_store %arg7[%swap3A, %swap3A_43], %add3A_42 {strides = array<i32>} : memref<400x128xf32, #tpu.memory_space<vmem>>, vector<400x128xf32>,
    return
  }
  func.func @transform_0(%arg0: i32) -> (i32, i32, i32) {
    %c0_i32 = arith.constant 0 : i32
    %c0_i32_0 = arith.constant 0 : i32
    %c0_i32_1 = arith.constant 0 : i32
    return %c0_i32, %arg0, %c0_i32_0 : i32, i32, i32
  }
  func.func @transform_1(%arg0: i32) -> (i32, i32, i32) {
    %c0_i32 = arith.constant 0 : i32
    %c0_i32_0 = arith.constant 0 : i32
    %c0_i32_1 = arith.constant 0 : i32
    return %c0_i32, %arg0, %c0_i32_0 : i32, i32, i32
  }
  func.func @transform_2(%arg0: i32) -> (i32, i32) {
    %c0_i32 = arith.constant 0 : i32
    %c0_i32_0 = arith.constant 0 : i32
    return %arg0, %c0_i32 : i32, i32
  }
  func.func @transform_3(%arg0: i32) -> (i32, i32) {
    %c0_i32 = arith.constant 0 : i32
    %c0_i32_0 = arith.constant 0 : i32
    %c0_i32_1 = arith.constant 0 : i32
    return %c0_i32, %c0_i32_0 : i32, i32
  }
  func.func @transform_4(%arg0: i32) -> (i32, i32) {
    %c0_i32 = arith.constant 0 : i32
    %c0_i32_0 = arith.constant 0 : i32
    %c0_i32_1 = arith.constant 0 : i32
    return %c0_i32, %c0_i32_0 : i32, i32
  }
  func.func @transform_5(%arg0: i32) -> (i32, i32) {
    %c0_i32 = arith.constant 0 : i32
    %c0_i32_0 = arith.constant 0 : i32
    %c0_i32_1 = arith.constant 0 : i32
    return %c0_i32, %c0_i32_0 : i32, i32
  }
  func.func @transform_6(%arg0: i32) -> (i32, i32) {
    %c0_i32 = arith.constant 0 : i32
    %c0_i32_0 = arith.constant 0 : i32
    return %arg0, %c0_i32 : i32, i32
  }
}

module attributes {stable_mosaic.version = 14 : i64} {
  func.func @_combine_body(%arg0: i32, %arg1: memref<2x400x128xf32, #tpu.memory_space<vmem>>, %arg2: memref<2x400x128xf32, #tpu.memory_space<vmem>>, %arg3: memref<400x128xf32, #tpu.memory_space<vmem>>, %arg4: memref<128x128xf32, #tpu.memory_space<vmem>>, %arg5: memref<1x128xf32, #tpu.memory_space<vmem>>, %arg6: memref<128x128xf32, #tpu.memory_space<vmem>>, %arg7: memref<400x128xf32, #tpu.memory_space<vmem>>) attributes {dimension_semantics = [#tpu.dimension_semantics<arbitrary>], iteration_bounds = array<i64: 25>, scalar_prefetch = 0 : i64, scratch_operands = 0 : i64, tpu.core_type = #tpu.core_type<tc>, window_params = [{transform_indices = @transform_0, window_bounds = array<i64: 2, 400, 128>}, {transform_indices = @transform_1, window_bounds = array<i64: 2, 400, 128>}, {transform_indices = @transform_2, window_bounds = array<i64: 400, 128>}, {pipeline_mode = #tpu.pipeline_mode<synchronous>, transform_indices = @transform_3, window_bounds = array<i64: 128, 128>}, {pipeline_mode = #tpu.pipeline_mode<synchronous>, transform_indices = @transform_4, window_bounds = array<i64: 1, 128>}, {pipeline_mode = #tpu.pipeline_mode<synchronous>, transform_indices = @transform_5, window_bounds = array<i64: 128, 128>}, {transform_indices = @transform_6, window_bounds = array<i64: 400, 128>}]} {
    %get3A = arith.constant 0 : index
    %get3A_0 = arith.constant 0 : index
    %get3A_1 = arith.constant 0 : index
    %get3A_2 = vector.load %arg2[%get3A, %get3A_0, %get3A_1] : memref<2x400x128xf32, #tpu.memory_space<vmem>>, vector<1x400x1xf32>
    %get3A_3 = vector.shape_cast %get3A_2 : vector<1x400x1xf32> to vector<400x1xf32>
    %get3A_4 = arith.constant 1 : index
    %get3A_5 = arith.constant 0 : index
    %get3A_6 = arith.constant 0 : index
    %get3A_7 = vector.load %arg2[%get3A_4, %get3A_5, %get3A_6] : memref<2x400x128xf32, #tpu.memory_space<vmem>>, vector<1x400x1xf32>
    %get3A_8 = vector.shape_cast %get3A_7 : vector<1x400x1xf32> to vector<400x1xf32>
    %add3A = arith.addf %get3A_3, %get3A_8 : vector<400x1xf32>
    %max3A = arith.constant 1.000000e+00 : f32
    %max3A_9 = vector.broadcast %max3A : f32 to vector<400x1xf32>
    %max3A_10 = arith.maximumf %add3A, %max3A_9 : vector<400x1xf32>
    %div3A = arith.constant 1.000000e+00 : f32
    %div3A_11 = vector.broadcast %div3A : f32 to vector<400x1xf32>
    %div3A_12 = arith.divf %div3A_11, %max3A_10 : vector<400x1xf32>
    %get3A_13 = arith.constant 0 : index
    %get3A_14 = arith.constant 0 : index
    %get3A_15 = arith.constant 0 : index
    %get3A_16 = vector.load %arg1[%get3A_13, %get3A_14, %get3A_15] : memref<2x400x128xf32, #tpu.memory_space<vmem>>, vector<1x400x128xf32>
    %get3A_17 = vector.shape_cast %get3A_16 : vector<1x400x128xf32> to vector<400x128xf32>
    %get3A_18 = arith.constant 1 : index
    %get3A_19 = arith.constant 0 : index
    %get3A_20 = arith.constant 0 : index
    %get3A_21 = vector.load %arg1[%get3A_18, %get3A_19, %get3A_20] : memref<2x400x128xf32, #tpu.memory_space<vmem>>, vector<1x400x128xf32>
    %get3A_22 = vector.shape_cast %get3A_21 : vector<1x400x128xf32> to vector<400x128xf32>
    %add3A_23 = arith.addf %get3A_17, %get3A_22 : vector<400x128xf32>
    %mul3A = vector.broadcast %div3A_12 : vector<400x1xf32> to vector<400x128xf32>
    %mul3A_24 = arith.mulf %add3A_23, %mul3A : vector<400x128xf32>
    %get3A_25 = arith.constant 0 : index
    %get3A_26 = arith.constant 0 : index
    %get3A_27 = vector.load %arg4[%get3A_25, %get3A_26] : memref<128x128xf32, #tpu.memory_space<vmem>>, vector<128x128xf32>
    %dot_general3A = arith.constant dense<0.000000e+00> : vector<400x128xf32>
    %dot_general3A_28 = tpu.matmul %mul3A_24, %get3A_27, %dot_general3A {dimension_numbers = #tpu.dot_dimension_numbers<[1], [1], [0], [0], [0, 0, 1, 0], [], []>, transpose_lhs_hint = false} : vector<400x128xf32>, vector<128x128xf32>, vector<400x128xf32> -> vector<400x128xf32>
    %get3A_29 = arith.constant 0 : index
    %get3A_30 = arith.constant 0 : index
    %get3A_31 = vector.load %arg3[%get3A_29, %get3A_30] : memref<400x128xf32, #tpu.memory_space<vmem>>, vector<400x128xf32>
    %get3A_32 = arith.constant 0 : index
    %get3A_33 = arith.constant 0 : index
    %get3A_34 = vector.load %arg6[%get3A_32, %get3A_33] : memref<128x128xf32, #tpu.memory_space<vmem>>, vector<128x128xf32>
    %dot_general3A_35 = arith.constant dense<0.000000e+00> : vector<400x128xf32>
    %dot_general3A_36 = tpu.matmul %get3A_31, %get3A_34, %dot_general3A_35 {dimension_numbers = #tpu.dot_dimension_numbers<[1], [1], [0], [0], [0, 0, 1, 0], [], []>, transpose_lhs_hint = false} : vector<400x128xf32>, vector<128x128xf32>, vector<400x128xf32> -> vector<400x128xf32>
    %add3A_37 = arith.addf %dot_general3A_28, %dot_general3A_36 : vector<400x128xf32>
    %get3A_38 = arith.constant 0 : index
    %get3A_39 = arith.constant 0 : index
    %get3A_40 = vector.load %arg5[%get3A_38, %get3A_39] : memref<1x128xf32, #tpu.memory_space<vmem>>, vector<1x128xf32>
    %add3A_41 = vector.broadcast %get3A_40 : vector<1x128xf32> to vector<400x128xf32>
    %add3A_42 = arith.addf %add3A_37, %add3A_41 : vector<400x128xf32>
    %swap3A = arith.constant 0 : index
    %swap3A_43 = arith.constant 0 : index
    %swap3A_44 = vector.load %arg7[%swap3A, %swap3A_43] : memref<400x128xf32, #tpu.memory_space<vmem>>, vector<400x128xf32>
    tpu.vector_store %arg7[%swap3A, %swap3A_43], %add3A_42 {strides = array<i32>} : memref<400x128xf32, #tpu.memory_space<vmem>>, vector<400x128xf32>,
    return
  }
  func.func @transform_0(%arg0: i32) -> (i32, i32, i32) {
    %c0_i32 = arith.constant 0 : i32
    %c0_i32_0 = arith.constant 0 : i32
    %c0_i32_1 = arith.constant 0 : i32
    return %c0_i32, %arg0, %c0_i32_0 : i32, i32, i32
  }
  func.func @transform_1(%arg0: i32) -> (i32, i32, i32) {
    %c0_i32 = arith.constant 0 : i32
    %c0_i32_0 = arith.constant 0 : i32
    %c0_i32_1 = arith.constant 0 : i32
    return %c0_i32, %arg0, %c0_i32_0 : i32, i32, i32
  }
  func.func @transform_2(%arg0: i32) -> (i32, i32) {
    %c0_i32 = arith.constant 0 : i32
    %c0_i32_0 = arith.constant 0 : i32
    return %arg0, %c0_i32 : i32, i32
  }
  func.func @transform_3(%arg0: i32) -> (i32, i32) {
    %c0_i32 = arith.constant 0 : i32
    %c0_i32_0 = arith.constant 0 : i32
    %c0_i32_1 = arith.constant 0 : i32
    return %c0_i32, %c0_i32_0 : i32, i32
  }
  func.func @transform_4(%arg0: i32) -> (i32, i32) {
    %c0_i32 = arith.constant 0 : i32
    %c0_i32_0 = arith.constant 0 : i32
    %c0_i32_1 = arith.constant 0 : i32
    return %c0_i32, %c0_i32_0 : i32, i32
  }
  func.func @transform_5(%arg0: i32) -> (i32, i32) {
    %c0_i32 = arith.constant 0 : i32
    %c0_i32_0 = arith.constant 0 : i32
    %c0_i32_1 = arith.constant 0 : i32
    return %c0_i32, %c0_i32_0 : i32, i32
  }
  func.func @transform_6(%arg0: i32) -> (i32, i32) {
    %c0_i32 = arith.constant 0 : i32
    %c0_i32_0 = arith.constant 0 : i32
    return %arg0, %c0_i32 : i32, i32
  }
}

</mosaic_0001>

<sc_bundles>
// kernel: kernel.11.cloned.1.call-start
scs
__scs_entry_jumppad:
0x0: {  	(pc) =	sbr.rel $0x88, $3  }
0x1: {  	(tag) =	ssettag $0x0;
	lr =	simm.s32 $0x1  }
0x2: {  	[smem:$0x3F97] =	sst lr;
	_ =	strace $0xD0000000  }
0x3: {  	_ = 	snop  }
0x4: {  	_ = 	snop  }
0x5: {  	_ = 	snop  }
0x6: {  	_ = 	snop  }
0x7: {  	_ = 	snop  }
__scs_overlays_trampoline_lowered:
0x8: {  	[smem:$0x3FA6] =	sst s0  }
0x9: {  	[smem:$0x3FA7] =	sst s1  }
0xa: {  	[smem:$0x3FA8] =	sst s2  }
0xb: {  	[smem:$0x3FA9] =	sst s3  }
0xc: {  	[smem:$0x3FAA] =	sst s4  }
0xd: {  	[smem:$0x3FAB] =	sst s5  }
0xe: {  	[smem:$0x3FAC] =	sst s6  }
0xf: {  	[smem:$0x3FAD] =	sst s7  }
0x10: {  	[smem:$0x3FAE] =	sst s8  }
0x11: {  	[smem:$0x3FAF] =	sst s9;
	s0 =	simm.s32 @!p0 $0x0  }
0x12: {  	s1 =	sld [smem:$0x3F95];
	s0 =	simm.s32 @p0 $0x1  }
0x13: {  	[smem:$0x3FB0] =	sst s0;
	s0 =	simm.s32 @!p1 $0x0  }
0x14: {  	s2 =	sld [smem:$0x3F94];
	s0 =	simm.s32 @p1 $0x1  }
0x15: {  	[smem:$0x3FB1] =	sst s0;
	s0 =	simm.s32 @!p2 $0x0  }
0x16: {  	s3 =	sld [smem:$0x3FDB];
	s0 =	simm.s32 @p2 $0x1  }
0x17: {  	s4 =	simm.s32 $0x1BF5;
	[smem:$0x3FB3] =	sst s0  }
0x18: {  	s0 =	sld [smem:$0x3F96];
	_ =	swait.ge [sflag:s4], $0x0  }
0x19: {  	s7 =	sld [smem:$0x3F97]  }
0x1a: {  	s8 =	sadd.s32 $0xFFFFE003, lr  }
0x1b: {  	s9 =	sadd.s32 $0xFFFFFEF7, lr;
	s5 =	simm.s32 $0xFFFFFFFF;
	p2 =	slt.u32 s8, $0xFFFFF086  }
0x1c: {  	p1 =	slt.u32 s9, $0xF7A;
	s5 =	simm.s32 @!p2 $0x0  }
0x1d: {  	s5 =	simm.s32 @p1 $0x1;
	p0 =	seq.s32 s7, s2  }
0x1e: {  	s7 =	smul.u32 @!p0 $0xF7A, s2;
	p2 =	seq.s32 @!p0 s5, $0x0  }
0x1f: {  	s9 =	smul.u32 $0xF7A, s1;
	s8 =	simm.s32 @!p0 $0x1BF5;
	p2 =	por !p2, p0  }
0x20: {  	[sflag:s8] =	ssyncset.s32 @!p0 $0xFFFFF086;
	s6 =	sadd.s32 @!p0 s3, s7;
	s7 =	simm.s32 @!p0 $0x108  }
0x21: {  	s3 =	sadd.s32 s3, s9;
	s6 =	sadd.s32 @!p0 $0x88, s6;
	s7 =	simm.s32 @p2 $0x1082  }
0x22: {  	[simem:s7], [sflag:s8] =	dma.local @!p0 [hbm:s6], $0xF7A  }
0x23: {  	s9 =	sor.u32 $0xD0000000, s2;
	s6 =	simm.s32 $0x108;
	_ =	swait.ge @!p0 [sflag:s8], $0x0  }
0x24: {  	s3 =	sadd.s32 $0x88, s3;
	s6 =	simm.s32 @!p1 $0x1082;
	[sflag:s4] =	ssyncset.s32 $0xFFFFF086  }
0x25: {  	[simem:s6], [sflag:s4] =	dma.local [hbm:s3], $0xF7A  }
0x26: {  	[smem:$0x3F97] =	sst s1;
	(tag) =	ssettag s2;
	_ =	strace s9  }
0x27: {  	s1 =	sld [smem:$0x3FA7]  }
0x28: {  	s2 =	sld [smem:$0x3FA8]  }
0x29: {  	s4 =	sld [smem:$0x3FAA]  }
0x2a: {  	p0 =	seq.s32 s5, $0x0;
	s5 =	sld [smem:$0x3FAB]  }
0x2b: {  	s6 =	sld [smem:$0x3FAC]  }
0x2c: {  	s7 =	sld [smem:$0x3FAD]  }
0x2d: {  	s3 =	simm.s32 $0x108;
	s8 =	sld [smem:$0x3FAE]  }
0x2e: {  	s3 =	simm.s32 @!p0 $0x1082;
	s9 =	sld [smem:$0x3FAF]  }
0x2f: {  	lr =	sadd.s32 s0, s3;
	s0 =	sld [smem:$0x3FA6]  }
0x30: {  	s3 =	sld [smem:$0x3FA9]  }
0x31: {  	[smem:$0x3FB2] =	sst s10  }
0x32: {  	s10 =	sld [smem:$0x3FB0];
	_ =	sdelay $0x3  }
0x33: {  	p0 =	seq.s32 s10, $0x1;
	s10 =	sld [smem:$0x3FB2];
	_ =	sdelay $0x3  }
0x34: {  	[smem:$0x3FB2] =	sst s10  }
0x35: {  	s10 =	sld [smem:$0x3FB1];
	_ =	sdelay $0x3  }
0x36: {  	p1 =	seq.s32 s10, $0x1;
	s10 =	sld [smem:$0x3FB2];
	_ =	sdelay $0x3  }
0x37: {  	[smem:$0x3FB2] =	sst s10  }
0x38: {  	s10 =	sld [smem:$0x3FB3]  }
0x39: {  	_ = 	snop;
	(pc) =	sbr.ind lr, $3  }
0x3a: {  	_ = 	snop  }
0x3b: {  	_ = 	snop  }
0x3c: {  	p2 =	seq.s32 s10, $0x1;
	s10 =	sld [smem:$0x3FB2]  }
0x3d: {  	_ =	shalt  }
0x3e: {  	_ =	shalt  }
0x3f: {  	_ =	shalt  }
0x40: {  	_ =	shalt  }
0x41: {  	_ =	shalt  }
0x42: {  	_ =	shalt  }
0x43: {  	_ =	shalt  }
0x44: {  	_ =	shalt  }
0x45: {  	_ =	shalt  }
0x46: {  	_ =	shalt  }
0x47: {  	_ =	shalt  }
0x48: {  	_ =	shalt  }
0x49: {  	_ =	shalt  }
0x4a: {  	_ =	shalt  }
0x4b: {  	_ =	shalt  }
0x4c: {  	_ =	shalt  }
0x4d: {  	_ =	shalt  }
0x4e: {  	_ =	shalt  }
0x4f: {  	_ =	shalt  }
0x50: {  	_ =	shalt  }
0x51: {  	_ =	shalt  }
0x52: {  	_ =	shalt  }
0x53: {  	_ =	shalt  }
0x54: {  	_ =	shalt  }
0x55: {  	_ =	shalt  }
0x56: {  	_ =	shalt  }
0x57: {  	_ =	shalt  }
0x58: {  	_ =	shalt  }
0x59: {  	_ =	shalt  }
0x5a: {  	_ =	shalt  }
0x5b: {  	_ =	shalt  }
0x5c: {  	_ =	shalt  }
0x5d: {  	_ =	shalt  }
0x5e: {  	_ =	shalt  }
0x5f: {  	_ =	shalt  }
0x60: {  	_ =	shalt  }
0x61: {  	_ =	shalt  }
0x62: {  	_ =	shalt  }
0x63: {  	_ =	shalt  }
0x64: {  	_ =	shalt  }
0x65: {  	_ =	shalt  }
0x66: {  	_ =	shalt  }
0x67: {  	_ =	shalt  }
0x68: {  	_ =	shalt  }
0x69: {  	_ =	shalt  }
0x6a: {  	_ =	shalt  }
0x6b: {  	_ =	shalt  }
0x6c: {  	_ =	shalt  }
0x6d: {  	_ =	shalt  }
0x6e: {  	_ =	shalt  }
0x6f: {  	_ =	shalt  }
0x70: {  	_ =	shalt  }
0x71: {  	_ =	shalt  }
0x72: {  	_ =	shalt  }
0x73: {  	_ =	shalt  }
0x74: {  	_ =	shalt  }
0x75: {  	_ =	shalt  }
0x76: {  	_ =	shalt  }
0x77: {  	_ =	shalt  }
0x78: {  	_ =	shalt  }
0x79: {  	_ =	shalt  }
0x7a: {  	_ =	shalt  }
0x7b: {  	_ =	shalt  }
0x7c: {  	_ =	shalt  }
0x7d: {  	_ =	shalt  }
0x7e: {  	_ =	shalt  }
0x7f: {  	_ =	shalt  }
0x80: {  	_ =	shalt  }
0x81: {  	_ =	shalt  }
0x82: {  	_ =	shalt  }
0x83: {  	_ =	shalt  }
0x84: {  	_ =	shalt  }
0x85: {  	_ =	shalt  }
0x86: {  	_ =	shalt  }
0x87: {  	_ =	shalt  }
.Lfunc_end0:
.L_simem_size_0:
called_computation.1_lowered:
.L_overlay_start_0:
0x88: {  	s2 =	sld [smem:$0x3FD9]  }
0x89: {  	s3 =	sld [smem:$0x3FFE];
	_ =	sdelay $0x1  }
0x8a: {  	s1 =	srdreg.scid  }
0x8b: {  	s0 =	sand.u32 $0x1, s1  }
0x8c: {  	s17 =	sshll.u32 s0, $0xA;
	s2 =	sadd.s32 s3, s2  }
0x8d: {  	s2 =	sadd.s32 s2, s17  }
0x8e: {  	[smem:$0x3FBE] =	sst s2  }
0x8f: {  	_ = 	snop  }
0x90: {  	s2 =	sld [smem:$0x3FD0];
	(tm) =	ssettm $0x1  }
0x91: {  	s18 =	sld [smem:$0x3FFB];
	_ =	sdelay $0x3  }
0x92: {  	_ =	strace s18  }
0x93: {  	s3 =	sld [smem:$0x3FFC];
	_ =	sdelay $0x3  }
0x94: {  	_ =	strace s3  }
0x95: {  	s3 =	sld [smem:$0x3FFD];
	_ =	sdelay $0x3  }
0x96: {  	_ =	strace s3  }
0x97: {  	_ =	strace $0x8FFFFFFF  }
0x98: {  	s19 =	sld [smem:$0x3FDB];
	_ =	sdelay $0x1  }
0x99: {  	s4 =	simm.s32 $_scs_section_size  }
0x9a: {  	s5 =	simm.s32 $_size__tile_overlayer_lowered;
	s6 =	simm.s32 $_tile_overlayer_lowered  }
0x9b: {  	s22 =	simm.s32 $0x1BFF;
	s21 =	sshll.u32 s6, $0x1;
	s3 =	sadd.s32 s4, s19  }
0x9c: {  	s7 =	simm.s32 $0x0;
	s20 =	sshll.u32 s5, $0x1;
	s5 =	sadd.s32 s21, s3  }
0x9d: {  	[timem:s7], [sflag:s22] =	dma.local [hbm:s5], s20  }
0x9e: {  	_ =	swait.ge [sflag:s22], s20  }
0x9f: {  	s4 =	ssub.s32 $0x0, s20;
	[sflag:s22] =	ssyncset.done $0x0  }
0xa0: {  	[sflag:s22] =	ssyncadd.s32 s4;
	_ =	sdelay $0x1  }
0xa1: {  	s23 =	simm.s32 $0x1B8B  }
0xa2: {  	_ =	swait.ge [sflag:s23], $0x1  }
0xa3: {  	[sflag:s23] =	ssyncset.done $0x0  }
0xa4: {  	s25 =	simm.s32 $0x1B8E;
	s24 =	sld [smem:$0x3FFE];
	[sflag:s23] =	ssyncadd.s32 $0xFFFFFFFF  }
0xa5: {  	s26 =	simm.s32 $execute0_lowered;
	[smem:$0x3FD2] =	sst s25  }
0xa6: {  	s5 =	sshll.u32 s26, $0x1;
	_ =	strace $0x80000046;
	[dreg:$0x1] =	wrdreg $0xFFFFFFFF  }
0xa7: {  	s28 =	simm.s32 $_size_execute0_lowered;
	s3 =	sadd.s32 s3, s5;
	[dreg:$0x0] =	wrdreg $0x0  }
0xa8: {  	s5 =	sshll.u32 s28, $0x1;
	[dreg:$0x2] =	wrdreg s3  }
0xa9: {  	[dreg:$0x3] =	wrdreg s5  }
0xaa: {  	[dreg:$0x4] =	wrdreg $0xC0  }
0xab: {  	_ =	task [dreg:s7], $0x5FFFF  }
0xac: {  	[dreg:$0x1] =	wrdreg $0xFFFFFFFF  }
0xad: {  	[dreg:$0x0] =	wrdreg $0x60  }
0xae: {  	[dreg:$0x2] =	wrdreg s2  }
0xaf: {  	[dreg:$0x3] =	wrdreg s24  }
0xb0: {  	[dreg:$0x4] =	wrdreg $0x0  }
0xb1: {  	[dreg:$0x5] =	wrdreg $0xA  }
0xb2: {  	_ =	task.clear_ibuf [dreg:s7], $0x6FFFF;
	_ =	strace $0x90000046  }
0xb3: {  	s29 =	simm.s32 $0xA;
	_ =	strace $0x80000048  }
0xb4: {  	_ =	swait.ge [sflag:s29], $0x1  }
0xb5: {  	[sflag:s29] =	ssyncadd.s32 $0xFFFFFFFF  }
0xb6: {  	_ =	strace $0x90000048  }
0xb7: {  	_ =	sfence  }
0xb8: {  	s30 =	sld [smem:$0x0];
	_ =	sdelay $0x2  }
0xb9: {  	s31 =	sshll.u32 s1, $0xD;
	s1 =	sshrl.u32 s1, $0x2  }
0xba: {  	s3 =	sand.u32 $0x4000, s31;
	s1 =	sadd.s32 s1, s30  }
0xbb: {  	s0 =	sor.u32 s3, s0;
	s1 =	sshll.u32 s1, $0x11  }
0xbc: {  	s0 =	sor.u32 s1, s0  }
0xbd: {  	s0 =	sadd.s32 $0x8F2B, s0  }
0xbe: {  	[sflag:s0] =	ssyncadd.remote.s32 $0x1  }
0xbf: {  	_ =	sfence.sel $0xFFFF  }
0xc0: {  	[dreg:$0x0] =	wrdreg $0xFFFFFFFF;
	(pc) =	sbr.abs _section_cstart, $3  }
0xc1: {  	[dreg:$0x1] =	wrdreg $0xFFFFFFFF  }
0xc2: {  	_ =	task.clear_ibuf [dreg:s7], $0x2FFFF;
	_ =	strace $0x9FFFFFFF  }
0xc3: {  	(tm) =	ssettm $0x7FFFFFFF  }
tec
execute0_lowered:
.L_overlay_start_1:
0x0: {  	(tag) =	ssettag $0x1  }
0x1: {  	s0 =	rddreg [dreg:$0x0]  }
0x2: {  	s5 =	rddreg [dreg:$0x1]  }
0x3: {  	s1 =	srdreg.scid;
	s3 =	rddreg [dreg:$0x2]  }
0x4: {  	s24 =	stileid.u32;
	s4 =	simm.s32 $0x0;
	s28 =	simm.s32 $0x1  }
0x5: {  	s29 =	simm.s32 $0x0;
	s6 =	sand.u32 $0x1, s1;
	s9 =	smul.u32 $0x50000, s24  }
0x6: {  	[smem:$0x7FF] =	sst s4;
	s21 =	sadd.s32 $0x17000, s5;
	s17 =	smul.u32 $0x14000, s24  }
0x7: {  	s7 =	sshll.u32 s6, $0x4;
	_ =	strace $0x80000047;
	s8 =	ssub.s32 $0x2, s6  }
0x8: {  	s18 =	smul.u32 $0x140000, s6;
	s7 =	sor.u32 s24, s7;
	s25 =	sshrl.u32 s8, $0x1  }
0x9: {  	s26 =	sshrl.u32 s9, $0x2;
	s14 =	sadd.s32 $0x4000, s17;
	s19 =	sadd.s32 $0x8000, s17  }
0xa: {  	s20 =	sadd.s32 $0xC000, s17;
	s23 =	sadd.s32 $0x10000, s17;
	s7 =	smul.u32 $0x500, s7  }
0xb: {  	s8 =	ssub.s32 s8, s25;
	s12 =	sadd.s32 s18, s17;
	s15 =	sadd.s32 s18, s14  }
0xc: {  	s14 =	sadd.s32 s14, s3;
	s16 =	sadd.s32 s19, s3;
	s19 =	sadd.s32 s18, s19  }
0xd: {  	s22 =	sadd.s32 s18, s20;
	s31 =	sadd.s32 s18, s23;
	s18 =	sadd.s32 s20, s3  }
0xe: {  	s20 =	sadd.s32 s23, s3;
	s23 =	simm.s32 $0x2;
	s25 =	simm.s32 $0x16800  }
0xf: {  	s8 =	smax.u32 s8, $0x1;
	s13 =	sshrl.u32 s12, $0x3;
	s15 =	sshrl.u32 s15, $0x3  }
0x10: {  	s19 =	sshrl.u32 s19, $0x3;
	s30 =	sshrl.u32 s22, $0x3;
	s22 =	sshrl.u32 s31, $0x3  }
0x11: {  	s7 =	sadd.s32 s7, s5;
	s5 =	sadd.s32 s26, s3;
	s13 =	sadd.s32 s21, s13  }
0x12: {  	s15 =	sadd.s32 s21, s15;
	s17 =	sadd.s32 s21, s19;
	s19 =	sadd.s32 s21, s30  }
0x13: {  	s21 =	sadd.s32 s21, s22;
	s22 =	simm.s32 $0x19000;
	s26 =	simm.s32 $0x80  }
0x14: {  	s6 =	sadd.s32 $0xD000, s7;
	s7 =	sadd.s32 $0x3000, s7;
	s9 =	sadd.s32 $0x4000, s5  }
0x15: {  	v0 =	vimm.f32 $0.0e+00;
	s10 =	sadd.s32 $0x8000, s5;
	s11 =	sadd.s32 $0xC000, s5;
	s12 =	sadd.s32 $0x10000, s5  }
.LBB2_1:
0x16: {  	s30 =	simm.s32 $0x0;
	s31 =	simm.s32 $0x200  }
.LBB2_2:
0x17: {  	p0 =	sne.s32 s31, $0xFE00;
	[tilespmem:s30+$0x19070] =	vst v0  }
0x18: {  	[tilespmem:s30+$0x19000] =	vst v0  }
0x19: {  	[tilespmem:s30+$0x19010] =	vst v0  }
.Ltmp0:
0x1a: {  	[tilespmem:s30+$0x19020] =	vst v0;
	(pc) =	sbr.rel @p0 .LBB2_2-.Ltmp0, $4  }
0x1b: {  	[tilespmem:s30+$0x19030] =	vst v0  }
0x1c: {  	[tilespmem:s30+$0x19040] =	vst v0  }
0x1d: {  	[tilespmem:s30+$0x19050] =	vst v0  }
0x1e: {  	[tilespmem:s30+$0x19060] =	vst v0;
	s30 =	sshra.s32 s31, $0x2;
	s31 =	sadd.s32 $0x200, s31  }
0x1f: {  	[tilespmem:s30+$0x19070] =	vst v0  }
0x20: {  	[tilespmem:s30+$0x19000] =	vst v0  }
0x21: {  	[tilespmem:s30+$0x19010] =	vst v0  }
0x22: {  	[tilespmem:s30+$0x19020] =	vst v0  }
0x23: {  	[tilespmem:s30+$0x19030] =	vst v0  }
0x24: {  	[tilespmem:s30+$0x19040] =	vst v0  }
0x25: {  	[tilespmem:s30+$0x19050] =	vst v0  }
0x26: {  	[tilespmem:s30+$0x19060] =	vst v0  }
0x27: {  	[spmem:s5] =	stream.linear.scatter [tilespmem:s22], [sflag:$0x2], $0x4000, $0x38;
	[tilespmem:$0x1D000] =	vst v63  }
0x28: {  	_ =	swait.ge [sflag:s23], $0x4000  }
0x29: {  	[sflag:s23] =	ssyncset.done $0x0  }
0x2a: {  	[sflag:s23] =	ssyncadd.s32 $0xFFFFC000  }
0x2b: {  	[spmem:s9] =	stream.linear.scatter [tilespmem:s22], [sflag:$0x2], $0x4000, $0x38;
	[tilespmem:$0x1D000] =	vst v63  }
0x2c: {  	_ =	swait.ge [sflag:s23], $0x4000  }
0x2d: {  	[sflag:s23] =	ssyncset.done $0x0  }
0x2e: {  	[sflag:s23] =	ssyncadd.s32 $0xFFFFC000  }
0x2f: {  	[spmem:s10] =	stream.linear.scatter [tilespmem:s22], [sflag:$0x2], $0x4000, $0x38;
	[tilespmem:$0x1D000] =	vst v63  }
0x30: {  	_ =	swait.ge [sflag:s23], $0x4000  }
0x31: {  	[sflag:s23] =	ssyncset.done $0x0  }
0x32: {  	[sflag:s23] =	ssyncadd.s32 $0xFFFFC000  }
0x33: {  	[spmem:s11] =	stream.linear.scatter [tilespmem:s22], [sflag:$0x2], $0x4000, $0x38;
	[tilespmem:$0x1D000] =	vst v63  }
0x34: {  	_ =	swait.ge [sflag:s23], $0x4000  }
0x35: {  	[sflag:s23] =	ssyncset.done $0x0  }
0x36: {  	[sflag:s23] =	ssyncadd.s32 $0xFFFFC000  }
0x37: {  	[spmem:s12] =	stream.linear.scatter [tilespmem:s22], [sflag:$0x2], $0x4000, $0x38;
	[tilespmem:$0x1D000] =	vst v63  }
0x38: {  	_ =	swait.ge [sflag:s23], $0x4000  }
0x39: {  	[sflag:s23] =	ssyncset.done $0x0  }
0x3a: {  	s30 =	simm.s32 $0x0;
	s1 =	simm.s32 $0x14000;
	[sflag:s23] =	ssyncadd.s32 $0xFFFFC000  }
0x3b: {  	[tilespmem:s1], [sflag:$0x2] =	stream.linear.gather [hbm4b:s6+s30], $0x2780, $0x38;
	[tilespmem:$0x1D000] =	vst v63  }
0x3c: {  	_ =	swait.ge [sflag:s23], $0x2780  }
0x3d: {  	[sflag:s23] =	ssyncset.done $0x0  }
0x3e: {  	[sflag:s23] =	ssyncadd.s32 $0xFFFFD880  }
0x3f: {  	[tilespmem:s25], [sflag:$0x2] =	stream.linear.gather [hbm4b:s7+s30], $0x2780, $0x38;
	[tilespmem:$0x1D000] =	vst v63  }
0x40: {  	_ =	swait.ge [sflag:s23], $0x2780  }
0x41: {  	[sflag:s23] =	ssyncset.done $0x0  }
0x42: {  	[sflag:s23] =	ssyncadd.s32 $0xFFFFD880  }
0x43: {  	s30 =	simm.s32 $0x14000;
	[bflag:$0x0] =	sbarrier.arrive $0xFFFF  }
0x44: {  	[tilespmem:s22], [sflag:$0x1] =	stream.indirect.gather [hbm4b:s0+s26], $0x80, s30, s26, $0xb8;
	[tilespmem:$0x1D000] =	vst v63  }
0x45: {  	_ =	swait.ge [sflag:s28], $0x4000  }
0x46: {  	[sflag:s28] =	ssyncset.done $0x0  }
0x47: {  	s30 =	simm.s32 $0x16800;
	[sflag:s28] =	ssyncadd.s32 $0xFFFFC000  }
0x48: {  	[spmem:s3] =	stream.indirect.scatter.add.f32 [tilespmem:s22], [sflag:$0x2], $0x80, s30, s26, $0xb8;
	[tilespmem:$0x1D000] =	vst v63  }
0x49: {  	_ =	swait.ge [sflag:s23], $0x4000  }
0x4a: {  	s31 =	simm.s32 $0x400;
	s30 =	simm.s32 $0x80;
	[sflag:s23] =	ssyncset.done $0x0  }
.LBB2_4:
0x4b: {  	s1 =	sadd.s32 $0x14000, s30  }
0x4c: {  	[sflag:s23] =	ssyncadd.s32 $0xFFFFC000;
	s2 =	smov.u32 s31;
	s24 =	sadd.s32 $0x200, s31  }
0x4d: {  	[tilespmem:s22], [sflag:$0x1] =	stream.indirect.gather [hbm4b:s0+s26], $0x80, s1, s26, $0xb8;
	[tilespmem:$0x1D000] =	vst v63  }
0x4e: {  	p0 =	sne.s32 s31, $0x9C00;
	_ =	swait.ge [sflag:s28], $0x4000  }
.Ltmp1:
0x4f: {  	[sflag:s28] =	ssyncset.done $0x0;
	(pc) =	sbr.rel @p0 .LBB2_4-.Ltmp1, $4  }
0x50: {  	s1 =	sadd.s32 $0x16800, s30;
	[sflag:s28] =	ssyncadd.s32 $0xFFFFC000  }
0x51: {  	[spmem:s3] =	stream.indirect.scatter.add.f32 [tilespmem:s22], [sflag:$0x2], $0x80, s1, s26, $0xb8;
	[tilespmem:$0x1D000] =	vst v63  }
0x52: {  	_ =	swait.ge [sflag:s23], $0x4000  }
0x53: {  	s30 =	sshra.s32 s2, $0x2;
	s31 =	smov.u32 s24;
	[sflag:s23] =	ssyncset.done $0x0  }
0x54: {  	s1 =	sadd.s32 $0x14000, s30;
	[sflag:s23] =	ssyncadd.s32 $0xFFFFC000  }
0x55: {  	[tilespmem:s22], [sflag:$0x1] =	stream.indirect.gather [hbm4b:s0+s26], $0x80, s1, s26, $0xb8;
	[tilespmem:$0x1D000] =	vst v63  }
0x56: {  	_ =	swait.ge [sflag:s28], $0x4000  }
0x57: {  	[sflag:s28] =	ssyncset.done $0x0  }
0x58: {  	s31 =	sadd.s32 $0x16800, s30;
	[sflag:s28] =	ssyncadd.s32 $0xFFFFC000  }
0x59: {  	[spmem:s3] =	stream.indirect.scatter.add.f32 [tilespmem:s22], [sflag:$0x2], $0x80, s31, s26, $0xb8;
	[tilespmem:$0x1D000] =	vst v63  }
0x5a: {  	_ =	swait.ge [sflag:s23], $0x4000  }
0x5b: {  	[sflag:s23] =	ssyncset.done $0x0  }
0x5c: {  	[sflag:s23] =	ssyncadd.s32 $0xFFFFC000  }
0x5d: {  	[bflag:$0x0] =	sbarrier.arrive $0xFFFF  }
0x5e: {  	[tilespmem:s22], [sflag:$0x2] =	stream.linear.gather [spmem:s5], $0x4000, $0x38;
	[tilespmem:$0x1D000] =	vst v63  }
0x5f: {  	_ =	swait.ge [sflag:s23], $0x4000  }
0x60: {  	[sflag:s23] =	ssyncset.done $0x0  }
0x61: {  	[sflag:s23] =	ssyncadd.s32 $0xFFFFC000  }
0x62: {  	[hbm4b:s13+s4] =	stream.linear.scatter [tilespmem:s22], [sflag:$0x2], $0x4000, $0x38;
	[tilespmem:$0x1D000] =	vst v63  }
0x63: {  	_ =	swait.ge [sflag:s23], $0x4000  }
0x64: {  	[sflag:s23] =	ssyncset.done $0x0  }
0x65: {  	[sflag:s23] =	ssyncadd.s32 $0xFFFFC000  }
0x66: {  	[tilespmem:s22], [sflag:$0x2] =	stream.linear.gather [spmem:s14], $0x4000, $0x38;
	[tilespmem:$0x1D000] =	vst v63  }
0x67: {  	_ =	swait.ge [sflag:s23], $0x4000  }
0x68: {  	[sflag:s23] =	ssyncset.done $0x0  }
0x69: {  	[sflag:s23] =	ssyncadd.s32 $0xFFFFC000  }
0x6a: {  	[hbm4b:s15+s4] =	stream.linear.scatter [tilespmem:s22], [sflag:$0x2], $0x4000, $0x38;
	[tilespmem:$0x1D000] =	vst v63  }
0x6b: {  	_ =	swait.ge [sflag:s23], $0x4000  }
0x6c: {  	[sflag:s23] =	ssyncset.done $0x0  }
0x6d: {  	[sflag:s23] =	ssyncadd.s32 $0xFFFFC000  }
0x6e: {  	[tilespmem:s22], [sflag:$0x2] =	stream.linear.gather [spmem:s16], $0x4000, $0x38;
	[tilespmem:$0x1D000] =	vst v63  }
0x6f: {  	_ =	swait.ge [sflag:s23], $0x4000  }
0x70: {  	[sflag:s23] =	ssyncset.done $0x0  }
0x71: {  	[sflag:s23] =	ssyncadd.s32 $0xFFFFC000  }
0x72: {  	[hbm4b:s17+s4] =	stream.linear.scatter [tilespmem:s22], [sflag:$0x2], $0x4000, $0x38;
	[tilespmem:$0x1D000] =	vst v63  }
0x73: {  	_ =	swait.ge [sflag:s23], $0x4000  }
0x74: {  	[sflag:s23] =	ssyncset.done $0x0  }
0x75: {  	[sflag:s23] =	ssyncadd.s32 $0xFFFFC000  }
0x76: {  	[tilespmem:s22], [sflag:$0x2] =	stream.linear.gather [spmem:s18], $0x4000, $0x38;
	[tilespmem:$0x1D000] =	vst v63  }
0x77: {  	_ =	swait.ge [sflag:s23], $0x4000  }
0x78: {  	[sflag:s23] =	ssyncset.done $0x0  }
0x79: {  	[sflag:s23] =	ssyncadd.s32 $0xFFFFC000  }
0x7a: {  	[hbm4b:s19+s4] =	stream.linear.scatter [tilespmem:s22], [sflag:$0x2], $0x4000, $0x38;
	[tilespmem:$0x1D000] =	vst v63  }
0x7b: {  	_ =	swait.ge [sflag:s23], $0x4000  }
0x7c: {  	[sflag:s23] =	ssyncset.done $0x0  }
0x7d: {  	[sflag:s23] =	ssyncadd.s32 $0xFFFFC000  }
0x7e: {  	[tilespmem:s22], [sflag:$0x2] =	stream.linear.gather [spmem:s20], $0x4000, $0x38;
	[tilespmem:$0x1D000] =	vst v63  }
0x7f: {  	s29 =	sadd.s32 $0x1, s29;
	_ =	swait.ge [sflag:s23], $0x4000  }
0x80: {  	p0 =	sne.s32 s29, s8;
	[sflag:s23] =	ssyncset.done $0x0  }
.Ltmp2:
0x81: {  	[sflag:s23] =	ssyncadd.s32 $0xFFFFC000;
	(pc) =	sbr.rel @p0 .LBB2_1-.Ltmp2, $4  }
0x82: {  	[hbm4b:s21+s4] =	stream.linear.scatter [tilespmem:s22], [sflag:$0x2], $0x4000, $0x38;
	[tilespmem:$0x1D000] =	vst v63  }
0x83: {  	_ =	swait.ge [sflag:s23], $0x4000  }
0x84: {  	[sflag:s23] =	ssyncset.done $0x0  }
0x85: {  	[sflag:s23] =	ssyncadd.s32 $0xFFFFC000  }
0x86: {  	_ =	sfence.sel $0x180000  }
0x87: {  	[bflag:$0x0] =	sbarrier.arrive $0xFFFF  }
0x88: {  	_ =	strace $0x90000047  }
0x89: {  	s0 =	stileid.u32;
	[bflag:$0x2] =	sbarrier.arrive $0xFFFF  }
0x8a: {  	p0 =	sne.s32 s0, $0x0;
	s0 =	rddreg [dreg:$0x3]  }
0x8b: {  	s0 =	sadd.s32 @!p0 $0x100000, s0  }
0x8c: {  	[sflag:s0] =	ssyncadd.tile.s32 @!p0 $0x1;
	_ =	shalt  }
.Lfunc_end2:
_tile_overlayer_lowered:
.L_overlay_start_2:
0x8d: {  	(tag) =	ssettag $0x2  }
0x8e: {  	s0 =	rddreg [dreg:$0x0];
	s2 =	stileid.u32  }
0x8f: {  	s1 =	rddreg [dreg:$0x1];
	p0 =	sne.s32 s2, $0x0  }
0x90: {  	s3 =	rddreg [dreg:$0x2];
	[bflag:$0x3] =	sbarrier.arrive $0xFFFF;
	s2 =	simm.s32 @!p0 $0x1C02  }
0x91: {  	[timem:s3], [sflag:s2] =	dma.local @!p0 [hbm:s0], s1  }
0x92: {  	s0 =	simm.s32 @!p0 $0x2  }
0x93: {  	_ =	swait.ge @!p0 [sflag:s0], s1  }
0x94: {  	s1 =	ssub.s32 @!p0 $0x0, s1;
	[sflag:s0] =	ssyncset.done @!p0 $0x0  }
0x95: {  	[sflag:s0] =	ssyncadd.s32 @!p0 s1  }
0x96: {  	[bflag:$0x3] =	sbarrier.arrive $0xFFFF  }
0x97: {  	_ =	shalt  }

// kernel: kernel.14.cloned.1.call-start
scs
__scs_entry_jumppad:
0x0: {  	(pc) =	sbr.rel $0x88, $3  }
0x1: {  	(tag) =	ssettag $0x0;
	lr =	simm.s32 $0x1  }
0x2: {  	[smem:$0x3F97] =	sst lr;
	_ =	strace $0xD0000000  }
0x3: {  	_ = 	snop  }
0x4: {  	_ = 	snop  }
0x5: {  	_ = 	snop  }
0x6: {  	_ = 	snop  }
0x7: {  	_ = 	snop  }
__scs_overlays_trampoline_lowered:
0x8: {  	[smem:$0x3FA6] =	sst s0  }
0x9: {  	[smem:$0x3FA7] =	sst s1  }
0xa: {  	[smem:$0x3FA8] =	sst s2  }
0xb: {  	[smem:$0x3FA9] =	sst s3  }
0xc: {  	[smem:$0x3FAA] =	sst s4  }
0xd: {  	[smem:$0x3FAB] =	sst s5  }
0xe: {  	[smem:$0x3FAC] =	sst s6  }
0xf: {  	[smem:$0x3FAD] =	sst s7  }
0x10: {  	[smem:$0x3FAE] =	sst s8  }
0x11: {  	[smem:$0x3FAF] =	sst s9;
	s0 =	simm.s32 @!p0 $0x0  }
0x12: {  	s1 =	sld [smem:$0x3F95];
	s0 =	simm.s32 @p0 $0x1  }
0x13: {  	[smem:$0x3FB0] =	sst s0;
	s0 =	simm.s32 @!p1 $0x0  }
0x14: {  	s2 =	sld [smem:$0x3F94];
	s0 =	simm.s32 @p1 $0x1  }
0x15: {  	[smem:$0x3FB1] =	sst s0;
	s0 =	simm.s32 @!p2 $0x0  }
0x16: {  	s3 =	sld [smem:$0x3FDB];
	s0 =	simm.s32 @p2 $0x1  }
0x17: {  	s4 =	simm.s32 $0x1BF5;
	[smem:$0x3FB3] =	sst s0  }
0x18: {  	s0 =	sld [smem:$0x3F96];
	_ =	swait.ge [sflag:s4], $0x0  }
0x19: {  	s7 =	sld [smem:$0x3F97]  }
0x1a: {  	s8 =	sadd.s32 $0xFFFFE003, lr  }
0x1b: {  	s9 =	sadd.s32 $0xFFFFFEF7, lr;
	s5 =	simm.s32 $0xFFFFFFFF;
	p2 =	slt.u32 s8, $0xFFFFF086  }
0x1c: {  	p1 =	slt.u32 s9, $0xF7A;
	s5 =	simm.s32 @!p2 $0x0  }
0x1d: {  	s5 =	simm.s32 @p1 $0x1;
	p0 =	seq.s32 s7, s2  }
0x1e: {  	s7 =	smul.u32 @!p0 $0xF7A, s2;
	p2 =	seq.s32 @!p0 s5, $0x0  }
0x1f: {  	s9 =	smul.u32 $0xF7A, s1;
	s8 =	simm.s32 @!p0 $0x1BF5;
	p2 =	por !p2, p0  }
0x20: {  	[sflag:s8] =	ssyncset.s32 @!p0 $0xFFFFF086;
	s6 =	sadd.s32 @!p0 s3, s7;
	s7 =	simm.s32 @!p0 $0x108  }
0x21: {  	s3 =	sadd.s32 s3, s9;
	s6 =	sadd.s32 @!p0 $0x88, s6;
	s7 =	simm.s32 @p2 $0x1082  }
0x22: {  	[simem:s7], [sflag:s8] =	dma.local @!p0 [hbm:s6], $0xF7A  }
0x23: {  	s9 =	sor.u32 $0xD0000000, s2;
	s6 =	simm.s32 $0x108;
	_ =	swait.ge @!p0 [sflag:s8], $0x0  }
0x24: {  	s3 =	sadd.s32 $0x88, s3;
	s6 =	simm.s32 @!p1 $0x1082;
	[sflag:s4] =	ssyncset.s32 $0xFFFFF086  }
0x25: {  	[simem:s6], [sflag:s4] =	dma.local [hbm:s3], $0xF7A  }
0x26: {  	[smem:$0x3F97] =	sst s1;
	(tag) =	ssettag s2;
	_ =	strace s9  }
0x27: {  	s1 =	sld [smem:$0x3FA7]  }
0x28: {  	s2 =	sld [smem:$0x3FA8]  }
0x29: {  	s4 =	sld [smem:$0x3FAA]  }
0x2a: {  	p0 =	seq.s32 s5, $0x0;
	s5 =	sld [smem:$0x3FAB]  }
0x2b: {  	s6 =	sld [smem:$0x3FAC]  }
0x2c: {  	s7 =	sld [smem:$0x3FAD]  }
0x2d: {  	s3 =	simm.s32 $0x108;
	s8 =	sld [smem:$0x3FAE]  }
0x2e: {  	s3 =	simm.s32 @!p0 $0x1082;
	s9 =	sld [smem:$0x3FAF]  }
0x2f: {  	lr =	sadd.s32 s0, s3;
	s0 =	sld [smem:$0x3FA6]  }
0x30: {  	s3 =	sld [smem:$0x3FA9]  }
0x31: {  	[smem:$0x3FB2] =	sst s10  }
0x32: {  	s10 =	sld [smem:$0x3FB0];
	_ =	sdelay $0x3  }
0x33: {  	p0 =	seq.s32 s10, $0x1;
	s10 =	sld [smem:$0x3FB2];
	_ =	sdelay $0x3  }
0x34: {  	[smem:$0x3FB2] =	sst s10  }
0x35: {  	s10 =	sld [smem:$0x3FB1];
	_ =	sdelay $0x3  }
0x36: {  	p1 =	seq.s32 s10, $0x1;
	s10 =	sld [smem:$0x3FB2];
	_ =	sdelay $0x3  }
0x37: {  	[smem:$0x3FB2] =	sst s10  }
0x38: {  	s10 =	sld [smem:$0x3FB3]  }
0x39: {  	_ = 	snop;
	(pc) =	sbr.ind lr, $3  }
0x3a: {  	_ = 	snop  }
0x3b: {  	_ = 	snop  }
0x3c: {  	p2 =	seq.s32 s10, $0x1;
	s10 =	sld [smem:$0x3FB2]  }
0x3d: {  	_ =	shalt  }
0x3e: {  	_ =	shalt  }
0x3f: {  	_ =	shalt  }
0x40: {  	_ =	shalt  }
0x41: {  	_ =	shalt  }
0x42: {  	_ =	shalt  }
0x43: {  	_ =	shalt  }
0x44: {  	_ =	shalt  }
0x45: {  	_ =	shalt  }
0x46: {  	_ =	shalt  }
0x47: {  	_ =	shalt  }
0x48: {  	_ =	shalt  }
0x49: {  	_ =	shalt  }
0x4a: {  	_ =	shalt  }
0x4b: {  	_ =	shalt  }
0x4c: {  	_ =	shalt  }
0x4d: {  	_ =	shalt  }
0x4e: {  	_ =	shalt  }
0x4f: {  	_ =	shalt  }
0x50: {  	_ =	shalt  }
0x51: {  	_ =	shalt  }
0x52: {  	_ =	shalt  }
0x53: {  	_ =	shalt  }
0x54: {  	_ =	shalt  }
0x55: {  	_ =	shalt  }
0x56: {  	_ =	shalt  }
0x57: {  	_ =	shalt  }
0x58: {  	_ =	shalt  }
0x59: {  	_ =	shalt  }
0x5a: {  	_ =	shalt  }
0x5b: {  	_ =	shalt  }
0x5c: {  	_ =	shalt  }
0x5d: {  	_ =	shalt  }
0x5e: {  	_ =	shalt  }
0x5f: {  	_ =	shalt  }
0x60: {  	_ =	shalt  }
0x61: {  	_ =	shalt  }
0x62: {  	_ =	shalt  }
0x63: {  	_ =	shalt  }
0x64: {  	_ =	shalt  }
0x65: {  	_ =	shalt  }
0x66: {  	_ =	shalt  }
0x67: {  	_ =	shalt  }
0x68: {  	_ =	shalt  }
0x69: {  	_ =	shalt  }
0x6a: {  	_ =	shalt  }
0x6b: {  	_ =	shalt  }
0x6c: {  	_ =	shalt  }
0x6d: {  	_ =	shalt  }
0x6e: {  	_ =	shalt  }
0x6f: {  	_ =	shalt  }
0x70: {  	_ =	shalt  }
0x71: {  	_ =	shalt  }
0x72: {  	_ =	shalt  }
0x73: {  	_ =	shalt  }
0x74: {  	_ =	shalt  }
0x75: {  	_ =	shalt  }
0x76: {  	_ =	shalt  }
0x77: {  	_ =	shalt  }
0x78: {  	_ =	shalt  }
0x79: {  	_ =	shalt  }
0x7a: {  	_ =	shalt  }
0x7b: {  	_ =	shalt  }
0x7c: {  	_ =	shalt  }
0x7d: {  	_ =	shalt  }
0x7e: {  	_ =	shalt  }
0x7f: {  	_ =	shalt  }
0x80: {  	_ =	shalt  }
0x81: {  	_ =	shalt  }
0x82: {  	_ =	shalt  }
0x83: {  	_ =	shalt  }
0x84: {  	_ =	shalt  }
0x85: {  	_ =	shalt  }
0x86: {  	_ =	shalt  }
0x87: {  	_ =	shalt  }
.Lfunc_end0:
.L_simem_size_0:
called_computation.2_lowered:
.L_overlay_start_0:
0x88: {  	s2 =	sld [smem:$0x3FD9]  }
0x89: {  	s3 =	sld [smem:$0x3FFE];
	_ =	sdelay $0x1  }
0x8a: {  	s1 =	srdreg.scid  }
0x8b: {  	s0 =	sand.u32 $0x1, s1  }
0x8c: {  	s17 =	sshll.u32 s0, $0xA;
	s2 =	sadd.s32 s3, s2  }
0x8d: {  	s2 =	sadd.s32 s2, s17  }
0x8e: {  	[smem:$0x3FBE] =	sst s2  }
0x8f: {  	_ = 	snop  }
0x90: {  	s2 =	sld [smem:$0x3FD0];
	(tm) =	ssettm $0x1  }
0x91: {  	s18 =	sld [smem:$0x3FFB];
	_ =	sdelay $0x3  }
0x92: {  	_ =	strace s18  }
0x93: {  	s3 =	sld [smem:$0x3FFC];
	_ =	sdelay $0x3  }
0x94: {  	_ =	strace s3  }
0x95: {  	s3 =	sld [smem:$0x3FFD];
	_ =	sdelay $0x3  }
0x96: {  	_ =	strace s3  }
0x97: {  	_ =	strace $0x8FFFFFFF  }
0x98: {  	s19 =	sld [smem:$0x3FDB];
	_ =	sdelay $0x1  }
0x99: {  	s4 =	simm.s32 $_scs_section_size  }
0x9a: {  	s5 =	simm.s32 $_size__tile_overlayer_lowered;
	s6 =	simm.s32 $_tile_overlayer_lowered  }
0x9b: {  	s22 =	simm.s32 $0x1BFF;
	s21 =	sshll.u32 s6, $0x1;
	s3 =	sadd.s32 s4, s19  }
0x9c: {  	s7 =	simm.s32 $0x0;
	s20 =	sshll.u32 s5, $0x1;
	s5 =	sadd.s32 s21, s3  }
0x9d: {  	[timem:s7], [sflag:s22] =	dma.local [hbm:s5], s20  }
0x9e: {  	_ =	swait.ge [sflag:s22], s20  }
0x9f: {  	s4 =	ssub.s32 $0x0, s20;
	[sflag:s22] =	ssyncset.done $0x0  }
0xa0: {  	[sflag:s22] =	ssyncadd.s32 s4;
	_ =	sdelay $0x1  }
0xa1: {  	s23 =	simm.s32 $0x1B8B  }
0xa2: {  	_ =	swait.ge [sflag:s23], $0x1  }
0xa3: {  	[sflag:s23] =	ssyncset.done $0x0  }
0xa4: {  	s25 =	simm.s32 $0x1B8E;
	s24 =	sld [smem:$0x3FFE];
	[sflag:s23] =	ssyncadd.s32 $0xFFFFFFFF  }
0xa5: {  	s26 =	simm.s32 $execute0_lowered;
	[smem:$0x3FD2] =	sst s25  }
0xa6: {  	s5 =	sshll.u32 s26, $0x1;
	_ =	strace $0x8000004C;
	[dreg:$0x1] =	wrdreg $0xFFFFFFFF  }
0xa7: {  	s28 =	simm.s32 $_size_execute0_lowered;
	s3 =	sadd.s32 s3, s5;
	[dreg:$0x0] =	wrdreg $0x0  }
0xa8: {  	s5 =	sshll.u32 s28, $0x1;
	[dreg:$0x2] =	wrdreg s3  }
0xa9: {  	[dreg:$0x3] =	wrdreg s5  }
0xaa: {  	[dreg:$0x4] =	wrdreg $0xC0  }
0xab: {  	_ =	task [dreg:s7], $0x5FFFF  }
0xac: {  	[dreg:$0x1] =	wrdreg $0xFFFFFFFF  }
0xad: {  	[dreg:$0x0] =	wrdreg $0x60  }
0xae: {  	[dreg:$0x2] =	wrdreg s2  }
0xaf: {  	[dreg:$0x3] =	wrdreg s24  }
0xb0: {  	[dreg:$0x4] =	wrdreg $0x0  }
0xb1: {  	[dreg:$0x5] =	wrdreg $0x9  }
0xb2: {  	_ =	task.clear_ibuf [dreg:s7], $0x6FFFF;
	_ =	strace $0x9000004C  }
0xb3: {  	s29 =	simm.s32 $0x9;
	_ =	strace $0x8000004E  }
0xb4: {  	_ =	swait.ge [sflag:s29], $0x1  }
0xb5: {  	[sflag:s29] =	ssyncadd.s32 $0xFFFFFFFF  }
0xb6: {  	_ =	strace $0x9000004E  }
0xb7: {  	_ =	sfence  }
0xb8: {  	s30 =	sld [smem:$0x0];
	_ =	sdelay $0x2  }
0xb9: {  	s31 =	sshll.u32 s1, $0xD;
	s1 =	sshrl.u32 s1, $0x2  }
0xba: {  	s3 =	sand.u32 $0x4000, s31;
	s1 =	sadd.s32 s1, s30  }
0xbb: {  	s0 =	sor.u32 s3, s0;
	s1 =	sshll.u32 s1, $0x11  }
0xbc: {  	s0 =	sor.u32 s1, s0  }
0xbd: {  	s0 =	sadd.s32 $0x8F2B, s0  }
0xbe: {  	[sflag:s0] =	ssyncadd.remote.s32 $0x1  }
0xbf: {  	_ =	sfence.sel $0xFFFF  }
0xc0: {  	[dreg:$0x0] =	wrdreg $0xFFFFFFFF;
	(pc) =	sbr.abs _section_cstart, $3  }
0xc1: {  	[dreg:$0x1] =	wrdreg $0xFFFFFFFF  }
0xc2: {  	_ =	task.clear_ibuf [dreg:s7], $0x2FFFF;
	_ =	strace $0x9FFFFFFF  }
0xc3: {  	(tm) =	ssettm $0x7FFFFFFF  }
tec
execute0_lowered:
.L_overlay_start_1:
0x0: {  	(tag) =	ssettag $0x1  }
0x1: {  	s0 =	rddreg [dreg:$0x0]  }
0x2: {  	s5 =	rddreg [dreg:$0x1]  }
0x3: {  	s1 =	srdreg.scid;
	s3 =	rddreg [dreg:$0x2]  }
0x4: {  	s24 =	stileid.u32;
	s4 =	simm.s32 $0x0;
	s28 =	simm.s32 $0x1  }
0x5: {  	s29 =	simm.s32 $0x0;
	s6 =	sand.u32 $0x1, s1;
	s9 =	smul.u32 $0x50000, s24  }
0x6: {  	[smem:$0x7FF] =	sst s4;
	s21 =	sadd.s32 $0x17000, s5;
	s17 =	smul.u32 $0x14000, s24  }
0x7: {  	s7 =	sshll.u32 s6, $0x4;
	_ =	strace $0x8000004D;
	s8 =	ssub.s32 $0x2, s6  }
0x8: {  	s18 =	smul.u32 $0x140000, s6;
	s7 =	sor.u32 s24, s7;
	s25 =	sshrl.u32 s8, $0x1  }
0x9: {  	s26 =	sshrl.u32 s9, $0x2;
	s14 =	sadd.s32 $0x4000, s17;
	s19 =	sadd.s32 $0x8000, s17  }
0xa: {  	s20 =	sadd.s32 $0xC000, s17;
	s23 =	sadd.s32 $0x10000, s17;
	s7 =	smul.u32 $0x500, s7  }
0xb: {  	s8 =	ssub.s32 s8, s25;
	s12 =	sadd.s32 s18, s17;
	s15 =	sadd.s32 s18, s14  }
0xc: {  	s14 =	sadd.s32 s14, s3;
	s16 =	sadd.s32 s19, s3;
	s19 =	sadd.s32 s18, s19  }
0xd: {  	s22 =	sadd.s32 s18, s20;
	s31 =	sadd.s32 s18, s23;
	s18 =	sadd.s32 s20, s3  }
0xe: {  	s20 =	sadd.s32 s23, s3;
	s23 =	simm.s32 $0x2;
	s25 =	simm.s32 $0x16800  }
0xf: {  	s8 =	smax.u32 s8, $0x1;
	s13 =	sshrl.u32 s12, $0x3;
	s15 =	sshrl.u32 s15, $0x3  }
0x10: {  	s19 =	sshrl.u32 s19, $0x3;
	s30 =	sshrl.u32 s22, $0x3;
	s22 =	sshrl.u32 s31, $0x3  }
0x11: {  	s7 =	sadd.s32 s7, s5;
	s5 =	sadd.s32 s26, s3;
	s13 =	sadd.s32 s21, s13  }
0x12: {  	s15 =	sadd.s32 s21, s15;
	s17 =	sadd.s32 s21, s19;
	s19 =	sadd.s32 s21, s30  }
0x13: {  	s21 =	sadd.s32 s21, s22;
	s22 =	simm.s32 $0x19000;
	s26 =	simm.s32 $0x80  }
0x14: {  	s6 =	sadd.s32 $0xD000, s7;
	s7 =	sadd.s32 $0x3000, s7;
	s9 =	sadd.s32 $0x4000, s5  }
0x15: {  	v0 =	vimm.f32 $0.0e+00;
	s10 =	sadd.s32 $0x8000, s5;
	s11 =	sadd.s32 $0xC000, s5;
	s12 =	sadd.s32 $0x10000, s5  }
.LBB2_1:
0x16: {  	s30 =	simm.s32 $0x0;
	s31 =	simm.s32 $0x200  }
.LBB2_2:
0x17: {  	p0 =	sne.s32 s31, $0xFE00;
	[tilespmem:s30+$0x19070] =	vst v0  }
0x18: {  	[tilespmem:s30+$0x19000] =	vst v0  }
0x19: {  	[tilespmem:s30+$0x19010] =	vst v0  }
.Ltmp0:
0x1a: {  	[tilespmem:s30+$0x19020] =	vst v0;
	(pc) =	sbr.rel @p0 .LBB2_2-.Ltmp0, $4  }
0x1b: {  	[tilespmem:s30+$0x19030] =	vst v0  }
0x1c: {  	[tilespmem:s30+$0x19040] =	vst v0  }
0x1d: {  	[tilespmem:s30+$0x19050] =	vst v0  }
0x1e: {  	[tilespmem:s30+$0x19060] =	vst v0;
	s30 =	sshra.s32 s31, $0x2;
	s31 =	sadd.s32 $0x200, s31  }
0x1f: {  	[tilespmem:s30+$0x19070] =	vst v0  }
0x20: {  	[tilespmem:s30+$0x19000] =	vst v0  }
0x21: {  	[tilespmem:s30+$0x19010] =	vst v0  }
0x22: {  	[tilespmem:s30+$0x19020] =	vst v0  }
0x23: {  	[tilespmem:s30+$0x19030] =	vst v0  }
0x24: {  	[tilespmem:s30+$0x19040] =	vst v0  }
0x25: {  	[tilespmem:s30+$0x19050] =	vst v0  }
0x26: {  	[tilespmem:s30+$0x19060] =	vst v0  }
0x27: {  	[spmem:s5] =	stream.linear.scatter [tilespmem:s22], [sflag:$0x2], $0x4000, $0x38;
	[tilespmem:$0x1D000] =	vst v63  }
0x28: {  	_ =	swait.ge [sflag:s23], $0x4000  }
0x29: {  	[sflag:s23] =	ssyncset.done $0x0  }
0x2a: {  	[sflag:s23] =	ssyncadd.s32 $0xFFFFC000  }
0x2b: {  	[spmem:s9] =	stream.linear.scatter [tilespmem:s22], [sflag:$0x2], $0x4000, $0x38;
	[tilespmem:$0x1D000] =	vst v63  }
0x2c: {  	_ =	swait.ge [sflag:s23], $0x4000  }
0x2d: {  	[sflag:s23] =	ssyncset.done $0x0  }
0x2e: {  	[sflag:s23] =	ssyncadd.s32 $0xFFFFC000  }
0x2f: {  	[spmem:s10] =	stream.linear.scatter [tilespmem:s22], [sflag:$0x2], $0x4000, $0x38;
	[tilespmem:$0x1D000] =	vst v63  }
0x30: {  	_ =	swait.ge [sflag:s23], $0x4000  }
0x31: {  	[sflag:s23] =	ssyncset.done $0x0  }
0x32: {  	[sflag:s23] =	ssyncadd.s32 $0xFFFFC000  }
0x33: {  	[spmem:s11] =	stream.linear.scatter [tilespmem:s22], [sflag:$0x2], $0x4000, $0x38;
	[tilespmem:$0x1D000] =	vst v63  }
0x34: {  	_ =	swait.ge [sflag:s23], $0x4000  }
0x35: {  	[sflag:s23] =	ssyncset.done $0x0  }
0x36: {  	[sflag:s23] =	ssyncadd.s32 $0xFFFFC000  }
0x37: {  	[spmem:s12] =	stream.linear.scatter [tilespmem:s22], [sflag:$0x2], $0x4000, $0x38;
	[tilespmem:$0x1D000] =	vst v63  }
0x38: {  	_ =	swait.ge [sflag:s23], $0x4000  }
0x39: {  	[sflag:s23] =	ssyncset.done $0x0  }
0x3a: {  	s30 =	simm.s32 $0x0;
	s1 =	simm.s32 $0x14000;
	[sflag:s23] =	ssyncadd.s32 $0xFFFFC000  }
0x3b: {  	[tilespmem:s1], [sflag:$0x2] =	stream.linear.gather [hbm4b:s6+s30], $0x2780, $0x38;
	[tilespmem:$0x1D000] =	vst v63  }
0x3c: {  	_ =	swait.ge [sflag:s23], $0x2780  }
0x3d: {  	[sflag:s23] =	ssyncset.done $0x0  }
0x3e: {  	[sflag:s23] =	ssyncadd.s32 $0xFFFFD880  }
0x3f: {  	[tilespmem:s25], [sflag:$0x2] =	stream.linear.gather [hbm4b:s7+s30], $0x2780, $0x38;
	[tilespmem:$0x1D000] =	vst v63  }
0x40: {  	_ =	swait.ge [sflag:s23], $0x2780  }
0x41: {  	[sflag:s23] =	ssyncset.done $0x0  }
0x42: {  	[sflag:s23] =	ssyncadd.s32 $0xFFFFD880  }
0x43: {  	s30 =	simm.s32 $0x14000;
	[bflag:$0x0] =	sbarrier.arrive $0xFFFF  }
0x44: {  	[tilespmem:s22], [sflag:$0x1] =	stream.indirect.gather [hbm4b:s0+s26], $0x80, s30, s26, $0xb8;
	[tilespmem:$0x1D000] =	vst v63  }
0x45: {  	_ =	swait.ge [sflag:s28], $0x4000  }
0x46: {  	[sflag:s28] =	ssyncset.done $0x0  }
0x47: {  	s30 =	simm.s32 $0x16800;
	[sflag:s28] =	ssyncadd.s32 $0xFFFFC000  }
0x48: {  	[spmem:s3] =	stream.indirect.scatter.add.f32 [tilespmem:s22], [sflag:$0x2], $0x80, s30, s26, $0xb8;
	[tilespmem:$0x1D000] =	vst v63  }
0x49: {  	_ =	swait.ge [sflag:s23], $0x4000  }
0x4a: {  	s31 =	simm.s32 $0x400;
	s30 =	simm.s32 $0x80;
	[sflag:s23] =	ssyncset.done $0x0  }
.LBB2_4:
0x4b: {  	s1 =	sadd.s32 $0x14000, s30  }
0x4c: {  	[sflag:s23] =	ssyncadd.s32 $0xFFFFC000;
	s2 =	smov.u32 s31;
	s24 =	sadd.s32 $0x200, s31  }
0x4d: {  	[tilespmem:s22], [sflag:$0x1] =	stream.indirect.gather [hbm4b:s0+s26], $0x80, s1, s26, $0xb8;
	[tilespmem:$0x1D000] =	vst v63  }
0x4e: {  	p0 =	sne.s32 s31, $0x9C00;
	_ =	swait.ge [sflag:s28], $0x4000  }
.Ltmp1:
0x4f: {  	[sflag:s28] =	ssyncset.done $0x0;
	(pc) =	sbr.rel @p0 .LBB2_4-.Ltmp1, $4  }
0x50: {  	s1 =	sadd.s32 $0x16800, s30;
	[sflag:s28] =	ssyncadd.s32 $0xFFFFC000  }
0x51: {  	[spmem:s3] =	stream.indirect.scatter.add.f32 [tilespmem:s22], [sflag:$0x2], $0x80, s1, s26, $0xb8;
	[tilespmem:$0x1D000] =	vst v63  }
0x52: {  	_ =	swait.ge [sflag:s23], $0x4000  }
0x53: {  	s30 =	sshra.s32 s2, $0x2;
	s31 =	smov.u32 s24;
	[sflag:s23] =	ssyncset.done $0x0  }
0x54: {  	s1 =	sadd.s32 $0x14000, s30;
	[sflag:s23] =	ssyncadd.s32 $0xFFFFC000  }
0x55: {  	[tilespmem:s22], [sflag:$0x1] =	stream.indirect.gather [hbm4b:s0+s26], $0x80, s1, s26, $0xb8;
	[tilespmem:$0x1D000] =	vst v63  }
0x56: {  	_ =	swait.ge [sflag:s28], $0x4000  }
0x57: {  	[sflag:s28] =	ssyncset.done $0x0  }
0x58: {  	s31 =	sadd.s32 $0x16800, s30;
	[sflag:s28] =	ssyncadd.s32 $0xFFFFC000  }
0x59: {  	[spmem:s3] =	stream.indirect.scatter.add.f32 [tilespmem:s22], [sflag:$0x2], $0x80, s31, s26, $0xb8;
	[tilespmem:$0x1D000] =	vst v63  }
0x5a: {  	_ =	swait.ge [sflag:s23], $0x4000  }
0x5b: {  	[sflag:s23] =	ssyncset.done $0x0  }
0x5c: {  	[sflag:s23] =	ssyncadd.s32 $0xFFFFC000  }
0x5d: {  	[bflag:$0x0] =	sbarrier.arrive $0xFFFF  }
0x5e: {  	[tilespmem:s22], [sflag:$0x2] =	stream.linear.gather [spmem:s5], $0x4000, $0x38;
	[tilespmem:$0x1D000] =	vst v63  }
0x5f: {  	_ =	swait.ge [sflag:s23], $0x4000  }
0x60: {  	[sflag:s23] =	ssyncset.done $0x0  }
0x61: {  	[sflag:s23] =	ssyncadd.s32 $0xFFFFC000  }
0x62: {  	[hbm4b:s13+s4] =	stream.linear.scatter [tilespmem:s22], [sflag:$0x2], $0x4000, $0x38;
	[tilespmem:$0x1D000] =	vst v63  }
0x63: {  	_ =	swait.ge [sflag:s23], $0x4000  }
0x64: {  	[sflag:s23] =	ssyncset.done $0x0  }
0x65: {  	[sflag:s23] =	ssyncadd.s32 $0xFFFFC000  }
0x66: {  	[tilespmem:s22], [sflag:$0x2] =	stream.linear.gather [spmem:s14], $0x4000, $0x38;
	[tilespmem:$0x1D000] =	vst v63  }
0x67: {  	_ =	swait.ge [sflag:s23], $0x4000  }
0x68: {  	[sflag:s23] =	ssyncset.done $0x0  }
0x69: {  	[sflag:s23] =	ssyncadd.s32 $0xFFFFC000  }
0x6a: {  	[hbm4b:s15+s4] =	stream.linear.scatter [tilespmem:s22], [sflag:$0x2], $0x4000, $0x38;
	[tilespmem:$0x1D000] =	vst v63  }
0x6b: {  	_ =	swait.ge [sflag:s23], $0x4000  }
0x6c: {  	[sflag:s23] =	ssyncset.done $0x0  }
0x6d: {  	[sflag:s23] =	ssyncadd.s32 $0xFFFFC000  }
0x6e: {  	[tilespmem:s22], [sflag:$0x2] =	stream.linear.gather [spmem:s16], $0x4000, $0x38;
	[tilespmem:$0x1D000] =	vst v63  }
0x6f: {  	_ =	swait.ge [sflag:s23], $0x4000  }
0x70: {  	[sflag:s23] =	ssyncset.done $0x0  }
0x71: {  	[sflag:s23] =	ssyncadd.s32 $0xFFFFC000  }
0x72: {  	[hbm4b:s17+s4] =	stream.linear.scatter [tilespmem:s22], [sflag:$0x2], $0x4000, $0x38;
	[tilespmem:$0x1D000] =	vst v63  }
0x73: {  	_ =	swait.ge [sflag:s23], $0x4000  }
0x74: {  	[sflag:s23] =	ssyncset.done $0x0  }
0x75: {  	[sflag:s23] =	ssyncadd.s32 $0xFFFFC000  }
0x76: {  	[tilespmem:s22], [sflag:$0x2] =	stream.linear.gather [spmem:s18], $0x4000, $0x38;
	[tilespmem:$0x1D000] =	vst v63  }
0x77: {  	_ =	swait.ge [sflag:s23], $0x4000  }
0x78: {  	[sflag:s23] =	ssyncset.done $0x0  }
0x79: {  	[sflag:s23] =	ssyncadd.s32 $0xFFFFC000  }
0x7a: {  	[hbm4b:s19+s4] =	stream.linear.scatter [tilespmem:s22], [sflag:$0x2], $0x4000, $0x38;
	[tilespmem:$0x1D000] =	vst v63  }
0x7b: {  	_ =	swait.ge [sflag:s23], $0x4000  }
0x7c: {  	[sflag:s23] =	ssyncset.done $0x0  }
0x7d: {  	[sflag:s23] =	ssyncadd.s32 $0xFFFFC000  }
0x7e: {  	[tilespmem:s22], [sflag:$0x2] =	stream.linear.gather [spmem:s20], $0x4000, $0x38;
	[tilespmem:$0x1D000] =	vst v63  }
0x7f: {  	s29 =	sadd.s32 $0x1, s29;
	_ =	swait.ge [sflag:s23], $0x4000  }
0x80: {  	p0 =	sne.s32 s29, s8;
	[sflag:s23] =	ssyncset.done $0x0  }
.Ltmp2:
0x81: {  	[sflag:s23] =	ssyncadd.s32 $0xFFFFC000;
	(pc) =	sbr.rel @p0 .LBB2_1-.Ltmp2, $4  }
0x82: {  	[hbm4b:s21+s4] =	stream.linear.scatter [tilespmem:s22], [sflag:$0x2], $0x4000, $0x38;
	[tilespmem:$0x1D000] =	vst v63  }
0x83: {  	_ =	swait.ge [sflag:s23], $0x4000  }
0x84: {  	[sflag:s23] =	ssyncset.done $0x0  }
0x85: {  	[sflag:s23] =	ssyncadd.s32 $0xFFFFC000  }
0x86: {  	_ =	sfence.sel $0x180000  }
0x87: {  	[bflag:$0x0] =	sbarrier.arrive $0xFFFF  }
0x88: {  	_ =	strace $0x9000004D  }
0x89: {  	s0 =	stileid.u32;
	[bflag:$0x2] =	sbarrier.arrive $0xFFFF  }
0x8a: {  	p0 =	sne.s32 s0, $0x0;
	s0 =	rddreg [dreg:$0x3]  }
0x8b: {  	s0 =	sadd.s32 @!p0 $0x100000, s0  }
0x8c: {  	[sflag:s0] =	ssyncadd.tile.s32 @!p0 $0x1;
	_ =	shalt  }
.Lfunc_end2:
_tile_overlayer_lowered:
.L_overlay_start_2:
0x8d: {  	(tag) =	ssettag $0x2  }
0x8e: {  	s0 =	rddreg [dreg:$0x0];
	s2 =	stileid.u32  }
0x8f: {  	s1 =	rddreg [dreg:$0x1];
	p0 =	sne.s32 s2, $0x0  }
0x90: {  	s3 =	rddreg [dreg:$0x2];
	[bflag:$0x3] =	sbarrier.arrive $0xFFFF;
	s2 =	simm.s32 @!p0 $0x1C02  }
0x91: {  	[timem:s3], [sflag:s2] =	dma.local @!p0 [hbm:s0], s1  }
0x92: {  	s0 =	simm.s32 @!p0 $0x2  }
0x93: {  	_ =	swait.ge @!p0 [sflag:s0], s1  }
0x94: {  	s1 =	ssub.s32 @!p0 $0x0, s1;
	[sflag:s0] =	ssyncset.done @!p0 $0x0  }
0x95: {  	[sflag:s0] =	ssyncadd.s32 @!p0 s1  }
0x96: {  	[bflag:$0x3] =	sbarrier.arrive $0xFFFF  }
0x97: {  	_ =	shalt  }

// kernel: kernel.8.cloned.1.call-start
scs
__scs_entry_jumppad:
0x0: {  	(pc) =	sbr.rel $0x88, $3  }
0x1: {  	(tag) =	ssettag $0x0;
	lr =	simm.s32 $0x1  }
0x2: {  	[smem:$0x3F97] =	sst lr;
	_ =	strace $0xD0000000  }
0x3: {  	_ = 	snop  }
0x4: {  	_ = 	snop  }
0x5: {  	_ = 	snop  }
0x6: {  	_ = 	snop  }
0x7: {  	_ = 	snop  }
__scs_overlays_trampoline_lowered:
0x8: {  	[smem:$0x3FA6] =	sst s0  }
0x9: {  	[smem:$0x3FA7] =	sst s1  }
0xa: {  	[smem:$0x3FA8] =	sst s2  }
0xb: {  	[smem:$0x3FA9] =	sst s3  }
0xc: {  	[smem:$0x3FAA] =	sst s4  }
0xd: {  	[smem:$0x3FAB] =	sst s5  }
0xe: {  	[smem:$0x3FAC] =	sst s6  }
0xf: {  	[smem:$0x3FAD] =	sst s7  }
0x10: {  	[smem:$0x3FAE] =	sst s8  }
0x11: {  	[smem:$0x3FAF] =	sst s9;
	s0 =	simm.s32 @!p0 $0x0  }
0x12: {  	s1 =	sld [smem:$0x3F95];
	s0 =	simm.s32 @p0 $0x1  }
0x13: {  	[smem:$0x3FB0] =	sst s0;
	s0 =	simm.s32 @!p1 $0x0  }
0x14: {  	s2 =	sld [smem:$0x3F94];
	s0 =	simm.s32 @p1 $0x1  }
0x15: {  	[smem:$0x3FB1] =	sst s0;
	s0 =	simm.s32 @!p2 $0x0  }
0x16: {  	s3 =	sld [smem:$0x3FDB];
	s0 =	simm.s32 @p2 $0x1  }
0x17: {  	s4 =	simm.s32 $0x1BF5;
	[smem:$0x3FB3] =	sst s0  }
0x18: {  	s0 =	sld [smem:$0x3F96];
	_ =	swait.ge [sflag:s4], $0x0  }
0x19: {  	s7 =	sld [smem:$0x3F97]  }
0x1a: {  	s8 =	sadd.s32 $0xFFFFE003, lr  }
0x1b: {  	s9 =	sadd.s32 $0xFFFFFEF7, lr;
	s5 =	simm.s32 $0xFFFFFFFF;
	p2 =	slt.u32 s8, $0xFFFFF086  }
0x1c: {  	p1 =	slt.u32 s9, $0xF7A;
	s5 =	simm.s32 @!p2 $0x0  }
0x1d: {  	s5 =	simm.s32 @p1 $0x1;
	p0 =	seq.s32 s7, s2  }
0x1e: {  	s7 =	smul.u32 @!p0 $0xF7A, s2;
	p2 =	seq.s32 @!p0 s5, $0x0  }
0x1f: {  	s9 =	smul.u32 $0xF7A, s1;
	s8 =	simm.s32 @!p0 $0x1BF5;
	p2 =	por !p2, p0  }
0x20: {  	[sflag:s8] =	ssyncset.s32 @!p0 $0xFFFFF086;
	s6 =	sadd.s32 @!p0 s3, s7;
	s7 =	simm.s32 @!p0 $0x108  }
0x21: {  	s3 =	sadd.s32 s3, s9;
	s6 =	sadd.s32 @!p0 $0x88, s6;
	s7 =	simm.s32 @p2 $0x1082  }
0x22: {  	[simem:s7], [sflag:s8] =	dma.local @!p0 [hbm:s6], $0xF7A  }
0x23: {  	s9 =	sor.u32 $0xD0000000, s2;
	s6 =	simm.s32 $0x108;
	_ =	swait.ge @!p0 [sflag:s8], $0x0  }
0x24: {  	s3 =	sadd.s32 $0x88, s3;
	s6 =	simm.s32 @!p1 $0x1082;
	[sflag:s4] =	ssyncset.s32 $0xFFFFF086  }
0x25: {  	[simem:s6], [sflag:s4] =	dma.local [hbm:s3], $0xF7A  }
0x26: {  	[smem:$0x3F97] =	sst s1;
	(tag) =	ssettag s2;
	_ =	strace s9  }
0x27: {  	s1 =	sld [smem:$0x3FA7]  }
0x28: {  	s2 =	sld [smem:$0x3FA8]  }
0x29: {  	s4 =	sld [smem:$0x3FAA]  }
0x2a: {  	p0 =	seq.s32 s5, $0x0;
	s5 =	sld [smem:$0x3FAB]  }
0x2b: {  	s6 =	sld [smem:$0x3FAC]  }
0x2c: {  	s7 =	sld [smem:$0x3FAD]  }
0x2d: {  	s3 =	simm.s32 $0x108;
	s8 =	sld [smem:$0x3FAE]  }
0x2e: {  	s3 =	simm.s32 @!p0 $0x1082;
	s9 =	sld [smem:$0x3FAF]  }
0x2f: {  	lr =	sadd.s32 s0, s3;
	s0 =	sld [smem:$0x3FA6]  }
0x30: {  	s3 =	sld [smem:$0x3FA9]  }
0x31: {  	[smem:$0x3FB2] =	sst s10  }
0x32: {  	s10 =	sld [smem:$0x3FB0];
	_ =	sdelay $0x3  }
0x33: {  	p0 =	seq.s32 s10, $0x1;
	s10 =	sld [smem:$0x3FB2];
	_ =	sdelay $0x3  }
0x34: {  	[smem:$0x3FB2] =	sst s10  }
0x35: {  	s10 =	sld [smem:$0x3FB1];
	_ =	sdelay $0x3  }
0x36: {  	p1 =	seq.s32 s10, $0x1;
	s10 =	sld [smem:$0x3FB2];
	_ =	sdelay $0x3  }
0x37: {  	[smem:$0x3FB2] =	sst s10  }
0x38: {  	s10 =	sld [smem:$0x3FB3]  }
0x39: {  	_ = 	snop;
	(pc) =	sbr.ind lr, $3  }
0x3a: {  	_ = 	snop  }
0x3b: {  	_ = 	snop  }
0x3c: {  	p2 =	seq.s32 s10, $0x1;
	s10 =	sld [smem:$0x3FB2]  }
0x3d: {  	_ =	shalt  }
0x3e: {  	_ =	shalt  }
0x3f: {  	_ =	shalt  }
0x40: {  	_ =	shalt  }
0x41: {  	_ =	shalt  }
0x42: {  	_ =	shalt  }
0x43: {  	_ =	shalt  }
0x44: {  	_ =	shalt  }
0x45: {  	_ =	shalt  }
0x46: {  	_ =	shalt  }
0x47: {  	_ =	shalt  }
0x48: {  	_ =	shalt  }
0x49: {  	_ =	shalt  }
0x4a: {  	_ =	shalt  }
0x4b: {  	_ =	shalt  }
0x4c: {  	_ =	shalt  }
0x4d: {  	_ =	shalt  }
0x4e: {  	_ =	shalt  }
0x4f: {  	_ =	shalt  }
0x50: {  	_ =	shalt  }
0x51: {  	_ =	shalt  }
0x52: {  	_ =	shalt  }
0x53: {  	_ =	shalt  }
0x54: {  	_ =	shalt  }
0x55: {  	_ =	shalt  }
0x56: {  	_ =	shalt  }
0x57: {  	_ =	shalt  }
0x58: {  	_ =	shalt  }
0x59: {  	_ =	shalt  }
0x5a: {  	_ =	shalt  }
0x5b: {  	_ =	shalt  }
0x5c: {  	_ =	shalt  }
0x5d: {  	_ =	shalt  }
0x5e: {  	_ =	shalt  }
0x5f: {  	_ =	shalt  }
0x60: {  	_ =	shalt  }
0x61: {  	_ =	shalt  }
0x62: {  	_ =	shalt  }
0x63: {  	_ =	shalt  }
0x64: {  	_ =	shalt  }
0x65: {  	_ =	shalt  }
0x66: {  	_ =	shalt  }
0x67: {  	_ =	shalt  }
0x68: {  	_ =	shalt  }
0x69: {  	_ =	shalt  }
0x6a: {  	_ =	shalt  }
0x6b: {  	_ =	shalt  }
0x6c: {  	_ =	shalt  }
0x6d: {  	_ =	shalt  }
0x6e: {  	_ =	shalt  }
0x6f: {  	_ =	shalt  }
0x70: {  	_ =	shalt  }
0x71: {  	_ =	shalt  }
0x72: {  	_ =	shalt  }
0x73: {  	_ =	shalt  }
0x74: {  	_ =	shalt  }
0x75: {  	_ =	shalt  }
0x76: {  	_ =	shalt  }
0x77: {  	_ =	shalt  }
0x78: {  	_ =	shalt  }
0x79: {  	_ =	shalt  }
0x7a: {  	_ =	shalt  }
0x7b: {  	_ =	shalt  }
0x7c: {  	_ =	shalt  }
0x7d: {  	_ =	shalt  }
0x7e: {  	_ =	shalt  }
0x7f: {  	_ =	shalt  }
0x80: {  	_ =	shalt  }
0x81: {  	_ =	shalt  }
0x82: {  	_ =	shalt  }
0x83: {  	_ =	shalt  }
0x84: {  	_ =	shalt  }
0x85: {  	_ =	shalt  }
0x86: {  	_ =	shalt  }
0x87: {  	_ =	shalt  }
.Lfunc_end0:
.L_simem_size_0:
called_computation_lowered:
.L_overlay_start_0:
0x88: {  	s2 =	sld [smem:$0x3FD9]  }
0x89: {  	s3 =	sld [smem:$0x3FFE];
	_ =	sdelay $0x1  }
0x8a: {  	s1 =	srdreg.scid  }
0x8b: {  	s0 =	sand.u32 $0x1, s1  }
0x8c: {  	s17 =	sshll.u32 s0, $0xA;
	s2 =	sadd.s32 s3, s2  }
0x8d: {  	s2 =	sadd.s32 s2, s17  }
0x8e: {  	[smem:$0x3FBE] =	sst s2  }
0x8f: {  	_ = 	snop  }
0x90: {  	(tm) =	ssettm $0x1  }
0x91: {  	s18 =	sld [smem:$0x3FFB];
	_ =	sdelay $0x3  }
0x92: {  	_ =	strace s18  }
0x93: {  	s2 =	sld [smem:$0x3FFC];
	_ =	sdelay $0x3  }
0x94: {  	_ =	strace s2  }
0x95: {  	s2 =	sld [smem:$0x3FFD];
	_ =	sdelay $0x3  }
0x96: {  	_ =	strace s2  }
0x97: {  	_ =	strace $0x8FFFFFFF  }
0x98: {  	s19 =	sld [smem:$0x3FDB];
	_ =	sdelay $0x1  }
0x99: {  	s20 =	simm.s32 $_scs_section_size  }
0x9a: {  	s4 =	simm.s32 $_size__tile_overlayer_lowered;
	s5 =	simm.s32 $_tile_overlayer_lowered  }
0x9b: {  	s6 =	simm.s32 $0x1BFF;
	s21 =	sshll.u32 s5, $0x1;
	s3 =	sadd.s32 s20, s19  }
0x9c: {  	s22 =	simm.s32 $0x0;
	s4 =	sshll.u32 s4, $0x1;
	s5 =	sadd.s32 s21, s3  }
0x9d: {  	[timem:s22], [sflag:s6] =	dma.local [hbm:s5], s4  }
0x9e: {  	_ =	swait.ge [sflag:s6], s4  }
0x9f: {  	s4 =	ssub.s32 $0x0, s4;
	[sflag:s6] =	ssyncset.done $0x0  }
0xa0: {  	[sflag:s6] =	ssyncadd.s32 s4;
	_ =	sdelay $0x1  }
0xa1: {  	s23 =	simm.s32 $0x1B8B  }
0xa2: {  	_ =	swait.ge [sflag:s23], $0x1  }
0xa3: {  	[sflag:s23] =	ssyncset.done $0x0  }
0xa4: {  	[sflag:s23] =	ssyncadd.s32 $0xFFFFFFFF  }
0xa5: {  	s4 =	sld [smem:$0x0]  }
0xa6: {  	s5 =	sand.u32 $0xFFFFFFFE, s1  }
0xa7: {  	p0 =	sne.s32 s1, s5  }
0xa8: {  	s5 =	sshll.u32 @p0 s5, $0xE  }
0xa9: {  	s5 =	sadd.s32 @p0 $0x11B8D, s5;
	s6 =	sshll.u32 @p0 s4, $0x11  }
0xaa: {  	s5 =	sor.u32 @p0 s6, s5  }
0xab: {  	[sflag:s5] =	ssyncadd.remote.s32 @p0 $0x1;
	_ =	sdelay $0x1  }
0xac: {  	s5 =	simm.s32 @p0 $0x1B8D  }
0xad: {  	_ =	swait.eq @p0 [sflag:s5], $0x1  }
0xae: {  	[sflag:s5] =	ssyncadd.s32 @p0 $0xFFFFFFFF  }
0xaf: {  	s6 =	sshll.u32 @!p0 s1, $0xE  }
0xb0: {  	s6 =	sor.u32 @!p0 $0x4000, s6;
	s5 =	simm.s32 @!p0 $0x1B8D  }
0xb1: {  	s4 =	sshll.u32 @!p0 s4, $0x11;
	s6 =	sadd.s32 @!p0 $0x11B8D, s6;
	_ =	swait.eq @!p0 [sflag:s5], $0x1  }
0xb2: {  	s4 =	sor.u32 @!p0 s4, s6;
	[sflag:s5] =	ssyncadd.s32 @!p0 $0xFFFFFFFF  }
0xb3: {  	s25 =	simm.s32 $0x1B8E;
	s24 =	sld [smem:$0x3FFE];
	[sflag:s4] =	ssyncadd.remote.s32 @!p0 $0x1  }
0xb4: {  	s26 =	simm.s32 $execute0_lowered;
	[smem:$0x3FD2] =	sst s25  }
0xb5: {  	s5 =	sshll.u32 s26, $0x1;
	_ =	strace $0x80000049;
	[dreg:$0x1] =	wrdreg $0xFFFFFFFF  }
0xb6: {  	s28 =	simm.s32 $_size_execute0_lowered;
	s3 =	sadd.s32 s3, s5;
	[dreg:$0x0] =	wrdreg $0x0  }
0xb7: {  	s5 =	sshll.u32 s28, $0x1;
	[dreg:$0x2] =	wrdreg s3  }
0xb8: {  	[dreg:$0x3] =	wrdreg s5  }
0xb9: {  	[dreg:$0x4] =	wrdreg $0xC0  }
0xba: {  	_ =	task [dreg:s22], $0x5FFFF  }
0xbb: {  	[dreg:$0x1] =	wrdreg $0xFFFFFFFF  }
0xbc: {  	[dreg:$0x0] =	wrdreg $0x60  }
0xbd: {  	[dreg:$0x2] =	wrdreg s24  }
0xbe: {  	[dreg:$0x3] =	wrdreg $0x0  }
0xbf: {  	[dreg:$0x4] =	wrdreg $0x9  }
0xc0: {  	_ =	task.clear_ibuf [dreg:s22], $0x5FFFF;
	_ =	strace $0x90000049  }
0xc1: {  	s29 =	simm.s32 $0x9;
	_ =	strace $0x8000004B  }
0xc2: {  	_ =	swait.ge [sflag:s29], $0x1  }
0xc3: {  	[sflag:s29] =	ssyncadd.s32 $0xFFFFFFFF  }
0xc4: {  	_ =	strace $0x9000004B  }
0xc5: {  	_ =	sfence  }
0xc6: {  	s30 =	sld [smem:$0x0];
	_ =	sdelay $0x2  }
0xc7: {  	s31 =	sshll.u32 s1, $0xD;
	s1 =	sshrl.u32 s1, $0x2  }
0xc8: {  	s4 =	sand.u32 $0x4000, s31;
	s1 =	sadd.s32 s1, s30  }
0xc9: {  	s0 =	sor.u32 s4, s0;
	s1 =	sshll.u32 s1, $0x11  }
0xca: {  	s0 =	sor.u32 s1, s0  }
0xcb: {  	s0 =	sadd.s32 $0x8F2B, s0  }
0xcc: {  	[sflag:s0] =	ssyncadd.remote.s32 $0x1  }
0xcd: {  	_ =	sfence.sel $0xFFFF  }
0xce: {  	[dreg:$0x0] =	wrdreg $0xFFFFFFFF;
	(pc) =	sbr.abs _section_cstart, $3  }
0xcf: {  	[dreg:$0x1] =	wrdreg $0xFFFFFFFF  }
0xd0: {  	_ =	task.clear_ibuf [dreg:s22], $0x2FFFF;
	_ =	strace $0x9FFFFFFF  }
0xd1: {  	(tm) =	ssettm $0x7FFFFFFF  }
tec
execute0_lowered:
.L_overlay_start_1:
0x0: {  	(tag) =	ssettag $0x1  }
0x1: {  	s0 =	srdreg.scid;
	s4 =	rddreg [dreg:$0x0]  }
0x2: {  	s2 =	rddreg [dreg:$0x1];
	s1 =	stileid.u32;
	s3 =	simm.s32 $0x0  }
0x3: {  	s22 =	simm.s32 $0x14000;
	s23 =	simm.s32 $0x80;
	s24 =	simm.s32 $0x0  }
0x4: {  	s5 =	sand.u32 $0x1, s0;
	s0 =	rddreg [dreg:$0x2];
	s8 =	smul.u32 $0x50000, s1  }
0x5: {  	[smem:$0x7FF] =	sst s3;
	s19 =	sadd.s32 $0x67000, s4;
	s16 =	smul.u32 $0x14000, s1  }
0x6: {  	s6 =	sshll.u32 s5, $0x4;
	_ =	strace $0x8000004A;
	s7 =	ssub.s32 $0x2, s5  }
0x7: {  	s17 =	smul.u32 $0x140000, s5;
	s6 =	sor.u32 s1, s6;
	s28 =	sshrl.u32 s7, $0x1  }
0x8: {  	s29 =	sshrl.u32 s8, $0x2;
	s12 =	sadd.s32 $0x4000, s16;
	s14 =	sadd.s32 $0x8000, s16  }
0x9: {  	s18 =	sadd.s32 $0xC000, s16;
	s21 =	sadd.s32 $0x10000, s16;
	s6 =	smul.u32 $0x500, s6  }
0xa: {  	s7 =	ssub.s32 s7, s28;
	s11 =	sadd.s32 s17, s16;
	s13 =	sadd.s32 s17, s12  }
0xb: {  	s12 =	sadd.s32 s12, s2;
	s15 =	sadd.s32 s17, s14;
	s14 =	sadd.s32 s14, s2  }
0xc: {  	s20 =	sadd.s32 s17, s18;
	s16 =	sadd.s32 s18, s2;
	s31 =	sadd.s32 s17, s21  }
0xd: {  	s18 =	sadd.s32 s21, s2;
	s21 =	simm.s32 $0x1;
	s11 =	sshrl.u32 s11, $0x3  }
0xe: {  	s13 =	sshrl.u32 s13, $0x3;
	s15 =	sshrl.u32 s15, $0x3;
	s30 =	sshrl.u32 s20, $0x3  }
0xf: {  	s20 =	sshrl.u32 s31, $0x3;
	s6 =	sadd.s32 s6, s4;
	s4 =	sadd.s32 s29, s2  }
0x10: {  	s11 =	sadd.s32 s19, s11;
	s13 =	sadd.s32 s19, s13;
	s15 =	sadd.s32 s19, s15  }
0x11: {  	s17 =	sadd.s32 s19, s30;
	s19 =	sadd.s32 s19, s20;
	s20 =	simm.s32 $0x16800  }
0x12: {  	s5 =	sadd.s32 $0x3000, s6;
	s6 =	smax.u32 s7, $0x1;
	s7 =	sadd.s32 $0x4000, s4  }
0x13: {  	v0 =	vimm.f32 $0.0e+00;
	v1 =	vimm.f32 $1.000000000e+00;
	s8 =	sadd.s32 $0x8000, s4;
	s9 =	sadd.s32 $0xC000, s4;
	s10 =	sadd.s32 $0x10000, s4  }
.LBB2_1:
0x14: {  	s25 =	simm.s32 $0x0;
	s26 =	simm.s32 $0x200  }
.LBB2_2:
0x15: {  	p0 =	sne.s32 s26, $0xFE00;
	[tilespmem:s25+$0x16870] =	vst v0  }
0x16: {  	[tilespmem:s25+$0x16800] =	vst v0  }
0x17: {  	[tilespmem:s25+$0x16810] =	vst v0  }
.Ltmp0:
0x18: {  	[tilespmem:s25+$0x16820] =	vst v0;
	(pc) =	sbr.rel @p0 .LBB2_2-.Ltmp0, $4  }
0x19: {  	[tilespmem:s25+$0x16830] =	vst v0  }
0x1a: {  	[tilespmem:s25+$0x16840] =	vst v0  }
0x1b: {  	[tilespmem:s25+$0x16850] =	vst v0  }
0x1c: {  	[tilespmem:s25+$0x16860] =	vst v0;
	s25 =	sshra.s32 s26, $0x2;
	s26 =	sadd.s32 $0x200, s26  }
0x1d: {  	[tilespmem:s25+$0x16870] =	vst v0  }
0x1e: {  	[tilespmem:s25+$0x16800] =	vst v0  }
0x1f: {  	[tilespmem:s25+$0x16810] =	vst v0  }
0x20: {  	[tilespmem:s25+$0x16820] =	vst v0  }
0x21: {  	[tilespmem:s25+$0x16830] =	vst v0  }
0x22: {  	[tilespmem:s25+$0x16840] =	vst v0  }
0x23: {  	[tilespmem:s25+$0x16850] =	vst v0  }
0x24: {  	[tilespmem:s25+$0x16860] =	vst v0  }
0x25: {  	[spmem:s4] =	stream.linear.scatter [tilespmem:s20], [sflag:$0x1], $0x4000, $0x38;
	[tilespmem:$0x1A800] =	vst v63  }
0x26: {  	_ =	swait.ge [sflag:s21], $0x4000  }
0x27: {  	[sflag:s21] =	ssyncset.done $0x0  }
0x28: {  	[sflag:s21] =	ssyncadd.s32 $0xFFFFC000  }
0x29: {  	[spmem:s7] =	stream.linear.scatter [tilespmem:s20], [sflag:$0x1], $0x4000, $0x38;
	[tilespmem:$0x1A800] =	vst v63  }
0x2a: {  	_ =	swait.ge [sflag:s21], $0x4000  }
0x2b: {  	[sflag:s21] =	ssyncset.done $0x0  }
0x2c: {  	[sflag:s21] =	ssyncadd.s32 $0xFFFFC000  }
0x2d: {  	[spmem:s8] =	stream.linear.scatter [tilespmem:s20], [sflag:$0x1], $0x4000, $0x38;
	[tilespmem:$0x1A800] =	vst v63  }
0x2e: {  	_ =	swait.ge [sflag:s21], $0x4000  }
0x2f: {  	[sflag:s21] =	ssyncset.done $0x0  }
0x30: {  	[sflag:s21] =	ssyncadd.s32 $0xFFFFC000  }
0x31: {  	[spmem:s9] =	stream.linear.scatter [tilespmem:s20], [sflag:$0x1], $0x4000, $0x38;
	[tilespmem:$0x1A800] =	vst v63  }
0x32: {  	_ =	swait.ge [sflag:s21], $0x4000  }
0x33: {  	[sflag:s21] =	ssyncset.done $0x0  }
0x34: {  	[sflag:s21] =	ssyncadd.s32 $0xFFFFC000  }
0x35: {  	[spmem:s10] =	stream.linear.scatter [tilespmem:s20], [sflag:$0x1], $0x4000, $0x38;
	[tilespmem:$0x1A800] =	vst v63  }
0x36: {  	_ =	swait.ge [sflag:s21], $0x4000  }
0x37: {  	[sflag:s21] =	ssyncset.done $0x0  }
0x38: {  	s31 =	simm.s32 $0x0;
	[sflag:s21] =	ssyncadd.s32 $0xFFFFC000  }
0x39: {  	[tilespmem:s22], [sflag:$0x1] =	stream.linear.gather [hbm4b:s5+s31], $0x2780, $0x38;
	[tilespmem:$0x1A800] =	vst v63  }
0x3a: {  	_ =	swait.ge [sflag:s21], $0x2780  }
0x3b: {  	[sflag:s21] =	ssyncset.done $0x0  }
0x3c: {  	s25 =	simm.s32 $0x0;
	s26 =	simm.s32 $0x200;
	[sflag:s21] =	ssyncadd.s32 $0xFFFFD880  }
.LBB2_4:
0x3d: {  	p0 =	sne.s32 s26, $0xFE00;
	[tilespmem:s25+$0x16870] =	vst v1  }
0x3e: {  	[tilespmem:s25+$0x16800] =	vst v1  }
0x3f: {  	[tilespmem:s25+$0x16810] =	vst v1  }
.Ltmp1:
0x40: {  	[tilespmem:s25+$0x16820] =	vst v1;
	(pc) =	sbr.rel @p0 .LBB2_4-.Ltmp1, $4  }
0x41: {  	[tilespmem:s25+$0x16830] =	vst v1  }
0x42: {  	[tilespmem:s25+$0x16840] =	vst v1  }
0x43: {  	[tilespmem:s25+$0x16850] =	vst v1  }
0x44: {  	[tilespmem:s25+$0x16860] =	vst v1;
	s25 =	sshra.s32 s26, $0x2;
	s26 =	sadd.s32 $0x200, s26  }
0x45: {  	[tilespmem:s25+$0x16870] =	vst v1  }
0x46: {  	[tilespmem:s25+$0x16800] =	vst v1  }
0x47: {  	[tilespmem:s25+$0x16810] =	vst v1  }
0x48: {  	[tilespmem:s25+$0x16820] =	vst v1  }
0x49: {  	[tilespmem:s25+$0x16830] =	vst v1  }
0x4a: {  	[tilespmem:s25+$0x16840] =	vst v1  }
0x4b: {  	[tilespmem:s25+$0x16850] =	vst v1  }
0x4c: {  	[tilespmem:s25+$0x16860] =	vst v1  }
0x4d: {  	s31 =	simm.s32 $0x14000;
	[bflag:$0x0] =	sbarrier.arrive $0xFFFF  }
0x4e: {  	[spmem:s2] =	stream.indirect.scatter.add.f32 [tilespmem:s20], [sflag:$0x1], $0x80, s31, s23, $0xb8;
	[tilespmem:$0x1A800] =	vst v63  }
0x4f: {  	s25 =	simm.s32 $0x200;
	_ =	swait.ge [sflag:s21], $0x4000  }
.LBB2_6:
0x50: {  	s26 =	sshra.s32 s25, $0x2;
	[sflag:s21] =	ssyncset.done $0x0;
	p0 =	sne.s32 s25, $0x9C00  }
.Ltmp2:
0x51: {  	s26 =	sadd.s32 $0x14000, s26;
	[sflag:s21] =	ssyncadd.s32 $0xFFFFC000;
	(pc) =	sbr.rel @p0 .LBB2_6-.Ltmp2, $3  }
0x52: {  	[spmem:s2] =	stream.indirect.scatter.add.f32 [tilespmem:s20], [sflag:$0x1], $0x80, s26, s23, $0xb8;
	[tilespmem:$0x1A800] =	vst v63  }
0x53: {  	s25 =	sadd.s32 $0x200, s25;
	_ =	sdelay $0x1  }
0x54: {  	_ =	swait.ge [sflag:s21], $0x4000  }
0x55: {  	[sflag:s21] =	ssyncset.done $0x0  }
0x56: {  	[sflag:s21] =	ssyncadd.s32 $0xFFFFC000  }
0x57: {  	[bflag:$0x0] =	sbarrier.arrive $0xFFFF  }
0x58: {  	[tilespmem:s20], [sflag:$0x1] =	stream.linear.gather [spmem:s4], $0x4000, $0x38;
	[tilespmem:$0x1A800] =	vst v63  }
0x59: {  	_ =	swait.ge [sflag:s21], $0x4000  }
0x5a: {  	[sflag:s21] =	ssyncset.done $0x0  }
0x5b: {  	[sflag:s21] =	ssyncadd.s32 $0xFFFFC000  }
0x5c: {  	[hbm4b:s11+s3] =	stream.linear.scatter [tilespmem:s20], [sflag:$0x1], $0x4000, $0x38;
	[tilespmem:$0x1A800] =	vst v63  }
0x5d: {  	_ =	swait.ge [sflag:s21], $0x4000  }
0x5e: {  	[sflag:s21] =	ssyncset.done $0x0  }
0x5f: {  	[sflag:s21] =	ssyncadd.s32 $0xFFFFC000  }
0x60: {  	[tilespmem:s20], [sflag:$0x1] =	stream.linear.gather [spmem:s12], $0x4000, $0x38;
	[tilespmem:$0x1A800] =	vst v63  }
0x61: {  	_ =	swait.ge [sflag:s21], $0x4000  }
0x62: {  	[sflag:s21] =	ssyncset.done $0x0  }
0x63: {  	[sflag:s21] =	ssyncadd.s32 $0xFFFFC000  }
0x64: {  	[hbm4b:s13+s3] =	stream.linear.scatter [tilespmem:s20], [sflag:$0x1], $0x4000, $0x38;
	[tilespmem:$0x1A800] =	vst v63  }
0x65: {  	_ =	swait.ge [sflag:s21], $0x4000  }
0x66: {  	[sflag:s21] =	ssyncset.done $0x0  }
0x67: {  	[sflag:s21] =	ssyncadd.s32 $0xFFFFC000  }
0x68: {  	[tilespmem:s20], [sflag:$0x1] =	stream.linear.gather [spmem:s14], $0x4000, $0x38;
	[tilespmem:$0x1A800] =	vst v63  }
0x69: {  	_ =	swait.ge [sflag:s21], $0x4000  }
0x6a: {  	[sflag:s21] =	ssyncset.done $0x0  }
0x6b: {  	[sflag:s21] =	ssyncadd.s32 $0xFFFFC000  }
0x6c: {  	[hbm4b:s15+s3] =	stream.linear.scatter [tilespmem:s20], [sflag:$0x1], $0x4000, $0x38;
	[tilespmem:$0x1A800] =	vst v63  }
0x6d: {  	_ =	swait.ge [sflag:s21], $0x4000  }
0x6e: {  	[sflag:s21] =	ssyncset.done $0x0  }
0x6f: {  	[sflag:s21] =	ssyncadd.s32 $0xFFFFC000  }
0x70: {  	[tilespmem:s20], [sflag:$0x1] =	stream.linear.gather [spmem:s16], $0x4000, $0x38;
	[tilespmem:$0x1A800] =	vst v63  }
0x71: {  	_ =	swait.ge [sflag:s21], $0x4000  }
0x72: {  	[sflag:s21] =	ssyncset.done $0x0  }
0x73: {  	[sflag:s21] =	ssyncadd.s32 $0xFFFFC000  }
0x74: {  	[hbm4b:s17+s3] =	stream.linear.scatter [tilespmem:s20], [sflag:$0x1], $0x4000, $0x38;
	[tilespmem:$0x1A800] =	vst v63  }
0x75: {  	_ =	swait.ge [sflag:s21], $0x4000  }
0x76: {  	[sflag:s21] =	ssyncset.done $0x0  }
0x77: {  	[sflag:s21] =	ssyncadd.s32 $0xFFFFC000  }
0x78: {  	[tilespmem:s20], [sflag:$0x1] =	stream.linear.gather [spmem:s18], $0x4000, $0x38;
	[tilespmem:$0x1A800] =	vst v63  }
0x79: {  	s24 =	sadd.s32 $0x1, s24;
	_ =	swait.ge [sflag:s21], $0x4000  }
0x7a: {  	p0 =	sne.s32 s24, s6;
	[sflag:s21] =	ssyncset.done $0x0  }
.Ltmp3:
0x7b: {  	[sflag:s21] =	ssyncadd.s32 $0xFFFFC000;
	(pc) =	sbr.rel @p0 .LBB2_1-.Ltmp3, $4  }
0x7c: {  	[hbm4b:s19+s3] =	stream.linear.scatter [tilespmem:s20], [sflag:$0x1], $0x4000, $0x38;
	[tilespmem:$0x1A800] =	vst v63  }
0x7d: {  	_ =	swait.ge [sflag:s21], $0x4000  }
0x7e: {  	[sflag:s21] =	ssyncset.done $0x0  }
0x7f: {  	[sflag:s21] =	ssyncadd.s32 $0xFFFFC000  }
0x80: {  	_ =	sfence.sel $0x180000  }
0x81: {  	[bflag:$0x0] =	sbarrier.arrive $0xFFFF  }
0x82: {  	p0 =	sne.s32 s1, $0x0;
	_ =	strace $0x9000004A  }
0x83: {  	s0 =	sadd.s32 @!p0 $0x100000, s0;
	[bflag:$0x2] =	sbarrier.arrive $0xFFFF  }
0x84: {  	[sflag:s0] =	ssyncadd.tile.s32 @!p0 $0x1;
	_ =	shalt  }
.Lfunc_end2:
_tile_overlayer_lowered:
.L_overlay_start_2:
0x85: {  	(tag) =	ssettag $0x2  }
0x86: {  	s0 =	rddreg [dreg:$0x0];
	s2 =	stileid.u32  }
0x87: {  	s1 =	rddreg [dreg:$0x1];
	p0 =	sne.s32 s2, $0x0  }
0x88: {  	s3 =	rddreg [dreg:$0x2];
	[bflag:$0x3] =	sbarrier.arrive $0xFFFF;
	s2 =	simm.s32 @!p0 $0x1C01  }
0x89: {  	[timem:s3], [sflag:s2] =	dma.local @!p0 [hbm:s0], s1  }
0x8a: {  	s0 =	simm.s32 @!p0 $0x1  }
0x8b: {  	_ =	swait.ge @!p0 [sflag:s0], s1  }
0x8c: {  	s1 =	ssub.s32 @!p0 $0x0, s1;
	[sflag:s0] =	ssyncset.done @!p0 $0x0  }
0x8d: {  	[sflag:s0] =	ssyncadd.s32 @!p0 s1  }
0x8e: {  	[bflag:$0x3] =	sbarrier.arrive $0xFFFF  }
0x8f: {  	_ =	shalt  }

</sc_bundles>
